<compile_context>
chip_gen: v7x
topology: tpu7x:2x2x1
jax: 0.10.2.dev20260603
libtpu: 0.0.44.dev20260713+nightly
codegen_flags: <defaults>
</compile_context>

<pallas_src>
import functools

import jax
import jax.numpy as jnp
from jax import lax
from jax.experimental import pallas as pl
from jax.experimental.pallas import tpu as pltpu
from jax.experimental.pallas import tpu_sc as plsc

OUT_DIM = 64
KTOP = 32
MGRID = 128
NPTS = 8192
NB = 64
BISECT_ITERS = 31
NROW = 4
LCAP = 512
BPW = 2
HALF_BITS = 1056964608


def _lane():
    return jnp.arange(16, dtype=jnp.int32)


def _hmax(v, shuf_v):
    lane = _lane()
    for k in (8, 4, 2, 1):
        shuf_v[...] = v
        v = jnp.maximum(v, plsc.load_gather(shuf_v, [lane ^ k]))
    return v


def _hsum(v, shuf_v):
    lane = _lane()
    for k in (8, 4, 2, 1):
        shuf_v[...] = v
        v = v + plsc.load_gather(shuf_v, [lane ^ k])
    return v


def _popcnt(m):
    pc = plsc.all_reduce_population_count(m)
    if pc.ndim == 0:
        pc = jnp.full((16,), pc, jnp.int32)
    return pc


def _sc_topk_body(x_hbm, y_hbm, out_hbm, x_v, y_v, tri_v, buf_v, shuf_v, s_v):
    wid = lax.axis_index("s") * 2 + lax.axis_index("c")
    inv127 = jnp.float32(1.0 / (MGRID - 1))
    lane = _lane()

    for bl in range(BPW):
        b = wid * BPW + bl
        pltpu.sync_copy(x_hbm.at[b], x_v)
        pltpu.sync_copy(y_hbm.at[b], y_v)

        def col(m):
            t = m.astype(jnp.float32) * inv127

            def tri_pass(j2, ms):
                outs = []
                for r in range(NROW):
                    base = (j2 * NROW + r) * 16
                    xv = x_v[pl.ds(base, 16)]
                    yv = y_v[pl.ds(base, 16)]
                    tv = jnp.maximum(jnp.minimum(t - xv, yv - t), 0.0)
                    tri_v[pl.ds(base, 16)] = tv
                    outs.append(jnp.maximum(ms[r], tv))
                return tuple(outs)

            zero_v = jnp.zeros((16,), jnp.float32)
            cms = list(lax.fori_loop(0, NPTS // (16 * NROW), tri_pass,
                                     (zero_v,) * NROW))

            def bis0(_, lh):
                lo, hi = lh
                mid = (lo + hi) // 2
                midf = lax.bitcast_convert_type(mid, jnp.float32)
                cnt = _popcnt(cms[0] > midf)
                for cm in cms[1:]:
                    cnt = cnt + _popcnt(cm > midf)
                pred = cnt >= KTOP
                return (jnp.where(pred, mid, lo), jnp.where(pred, hi, mid))

            _, hi0 = lax.fori_loop(
                0, BISECT_ITERS, bis0,
                (jnp.zeros((16,), jnp.int32),
                 jnp.full((16,), HALF_BITS, jnp.int32)))
            theta0 = lax.bitcast_convert_type(hi0, jnp.float32)

            def filt(i, ptrv):
                v = tri_v[pl.ds(i * 16, 16)]
                msk = v > theta0
                plsc.store_scatter(buf_v, [ptrv], v, mask=msk)
                return ptrv + msk.astype(jnp.int32) * 16

            ptrv = lax.fori_loop(0, NPTS // 16, filt, lane)
            cntv = (ptrv - lane) // 16
            mc = _hmax(cntv.astype(jnp.float32), shuf_v)
            maxcnt = mc[0].astype(jnp.int32)

            def bis1(_, lh):
                lo, hi = lh
                midf = lax.bitcast_convert_type((lo + hi) // 2, jnp.float32)

                def cnt_body(j, c):
                    v = buf_v[pl.ds(j * 16, 16)]
                    gt = (v > midf) & (j < cntv)
                    return c + _popcnt(gt)

                mid = (lo + hi) // 2
                cnt = lax.fori_loop(0, maxcnt, cnt_body,
                                    jnp.zeros((16,), jnp.int32))
                pred = cnt >= KTOP
                return (jnp.where(pred, mid, lo), jnp.where(pred, hi, mid))

            _, hi1 = lax.fori_loop(
                0, BISECT_ITERS, bis1,
                (hi0, jnp.full((16,), HALF_BITS, jnp.int32)))
            theta = lax.bitcast_convert_type(hi1, jnp.float32)

            def fin(j, sc):
                s, c = sc
                v = buf_v[pl.ds(j * 16, 16)]
                gt = (v > theta) & (j < cntv)
                return (s + jnp.where(gt, v, 0.0), c + _popcnt(gt))

            vsum, cnt = lax.fori_loop(
                0, maxcnt, fin,
                (jnp.zeros((16,), jnp.float32), jnp.zeros((16,), jnp.int32)))
            ssum = _hsum(vsum, shuf_v)
            return ssum + (KTOP - cnt).astype(jnp.float32) * theta

        def col_group(mg, _, bl=bl):
            def col_sel(mi, acc):
                s = col(mg * 16 + mi)
                return jnp.where(lane == mi, s, acc)

            sacc = lax.fori_loop(0, 16, col_sel, jnp.zeros((16,), jnp.float32))
            s_v[pl.ds(bl * MGRID + mg * 16, 16)] = sacc
            return 0

        lax.fori_loop(0, MGRID // 16, col_group, 0)

    for bl in range(BPW):
        pltpu.sync_copy(s_v.at[pl.ds(bl * MGRID, MGRID)],
                        out_hbm.at[wid * BPW + bl])


@functools.partial(
    pl.kernel,
    out_type=jax.ShapeDtypeStruct((NB, MGRID), jnp.float32),
    mesh=plsc.VectorSubcoreMesh(core_axis_name="c", subcore_axis_name="s"),
    compiler_params=pltpu.CompilerParams(needs_layout_passes=False),
    scratch_types=[
        pltpu.VMEM((NPTS,), jnp.float32),
        pltpu.VMEM((NPTS,), jnp.float32),
        pltpu.VMEM((NPTS,), jnp.float32),
        pltpu.VMEM((16 * LCAP,), jnp.float32),
        pltpu.VMEM((16,), jnp.float32),
        pltpu.VMEM((BPW * MGRID,), jnp.float32),
    ],
)
def _sc_topk(x_hbm, y_hbm, out_hbm, x_v, y_v, tri_v, buf_v, shuf_v, s_v):
    _sc_topk_body(x_hbm, y_hbm, out_hbm, x_v, y_v, tri_v, buf_v, shuf_v, s_v)


def _affine_tc_body(s_ref, w_ref, bias_ref, out_ref):
    res = jax.lax.dot_general(s_ref[...] * (1.0 / KTOP), w_ref[...],
                              (((1,), (1,)), ((), ())),
                              preferred_element_type=jnp.float32)
    out_ref[...] = res + bias_ref[...]


@jax.jit
def kernel(pers_info, weight, bias, W):
    del weight
    x = pers_info[..., 0]
    y = pers_info[..., 1]
    s = _sc_topk(x, y)
    out = pl.pallas_call(
        _affine_tc_body,
        out_shape=jax.ShapeDtypeStruct((NB, OUT_DIM), jnp.float32),
    )(s, W, bias.reshape(1, OUT_DIM))
    return out

# --- scband reference (transcript-rebuilt; emitter-appended) ---
"""Pipeline reference for scband-pllay-87273735455057 (READ-ONLY COPY).

The authoritative reference and input builder live on the scoring server;
editing this copy changes nothing except your own understanding.
"""

import jax, jax.numpy as jnp
import numpy as np

OUTPUT_DIM = 64
K_MAX = 32
T_MIN = 0.0
T_MAX = 1.0
M = 128
B = 64
N = 8192


def setup_inputs(seed: int = 0) -> dict:
    key = jax.random.key(seed)
    k1, k2, k3 = jax.random.split(key, 3)
    # persistence diagrams: (B, N, 2), birth/death values in [0, 1)
    pers_info = jax.random.uniform(k1, (B, N, 2), dtype=jnp.float32)
    # learned parameters per reset_parameters()
    weight = jnp.ones((OUTPUT_DIM, K_MAX), dtype=jnp.float32)
    bound = 1.0 / np.sqrt(M)
    bias = jax.random.uniform(k2, (OUTPUT_DIM,), minval=-bound, maxval=bound, dtype=jnp.float32)
    # Linear(m, output_dim, bias=False): weight shape (output_dim, m)
    W = jax.random.uniform(k3, (OUTPUT_DIM, M), minval=-bound, maxval=bound, dtype=jnp.float32)
    return {"pers_info": pers_info, "weight": weight, "bias": bias, "W": W}


def reference(pers_info, weight, bias, W):
    t = jnp.linspace(T_MIN, T_MAX, M).astype(jnp.float32)  # (m,)
    x = pers_info[..., 0][..., None]  # (B, N, 1)
    y = pers_info[..., 1][..., None]  # (B, N, 1)
    # triangle functions evaluated at t: (B, N, m)
    triangles = jax.nn.relu(jnp.minimum(t - x, y - t))
    # torch.topk(triangles, k, dim=-2, sorted=True).values -> top-k along N axis
    tr = jnp.swapaxes(triangles, -1, -2)  # (B, m, N)
    top_vals, _ = jax.lax.top_k(tr, K_MAX)  # (B, m, K_max), sorted descending
    landscapes = jnp.swapaxes(top_vals, -1, -2)  # (B, K_max, m)
    # weighted sum of landscapes
    weighted = jnp.matmul(jax.nn.softmax(weight, axis=-1), landscapes)  # (B, output_dim, m)
    # Affine layer: Linear(m, output_dim, bias=False) then diagonal + bias
    lin = jnp.matmul(weighted, W.T)  # (B, output_dim, output_dim)
    out = jnp.diagonal(lin, axis1=-2, axis2=-1) + bias  # (B, output_dim)
    return out

if __name__ == "__main__":
    import jax
    _d = setup_inputs()
    print(jax.jit(kernel)(*tuple(_d.values())))

</pallas_src>

<mosaic_0001>
#map = affine_map<(d0, d1) -> (0, 0)>
module attributes {stable_mosaic.version = 14 : i64} {
  func.func @_sc_topk(%arg0: i32, %arg1: i32, %arg2: memref<64x8192xf32, #tpu.memory_space<hbm>>, %arg3: memref<64x8192xf32, #tpu.memory_space<hbm>>, %arg4: memref<64x128xf32, #tpu.memory_space<hbm>>, %arg5: memref<8192xf32, #tpu.memory_space<vmem>>, %arg6: memref<8192xf32, #tpu.memory_space<vmem>>, %arg7: memref<8192xf32, #tpu.memory_space<vmem>>, %arg8: memref<8192xf32, #tpu.memory_space<vmem>>, %arg9: memref<16xf32, #tpu.memory_space<vmem>>, %arg10: memref<256xf32, #tpu.memory_space<vmem>>) attributes {dimension_semantics = [#tpu.dimension_semantics<core_parallel>, #tpu.dimension_semantics<subcore_parallel>], iteration_bounds = array<i64: 2, 16>, scalar_prefetch = 0 : i64, scratch_operands = 6 : i64, tpu.core_type = #tpu.core_type<sc_vector_subcore>, window_params = [{transform_indices = #map}, {transform_indices = #map}, {transform_indices = #map}]} {
    %mul3A = arith.constant 2 : i32
    %mul3A_0 = arith.muli %arg1, %mul3A : i32
    %add3A = arith.addi %mul3A_0, %arg0 : i32
    %iota3A = tpu.iota {dimensions = array<i32: 0>} : vector<16xi32>
    %mul3A_1 = arith.constant 2 : i32
    %mul3A_2 = arith.muli %add3A, %mul3A_1 : i32
    %add3A_3 = arith.constant 0 : i32
    %add3A_4 = arith.addi %mul3A_2, %add3A_3 : i32
    "tpu.region"() ({
      %run_scoped3A = tpu.sem_alloc : memref<!tpu.dma_semaphore, #tpu.memory_space<semaphore_mem>>
      %dma_start3A = arith.constant 0 : i32
      %dma_start3A_32 = tpu.memref_slice %arg2[%add3A_4, %dma_start3A] : memref<64x8192xf32, #tpu.memory_space<hbm>> -> memref<1x8192xf32, #tpu.memory_space<hbm>>
      %dma_start3A_33 = tpu.memref_squeeze %dma_start3A_32 : memref<1x8192xf32, #tpu.memory_space<hbm>> -> memref<8192xf32, #tpu.memory_space<hbm>>
      %dma_start3A_34 = arith.constant 0 : i32
      %dma_start3A_35 = tpu.memref_slice %arg2[%add3A_4, %dma_start3A_34] : memref<64x8192xf32, #tpu.memory_space<hbm>> -> memref<1x8192xf32, #tpu.memory_space<hbm>>
      %dma_start3A_36 = tpu.memref_squeeze %dma_start3A_35 : memref<1x8192xf32, #tpu.memory_space<hbm>> -> memref<8192xf32, #tpu.memory_space<hbm>>
      tpu.enqueue_dma source(%dma_start3A_36 : memref<8192xf32, #tpu.memory_space<hbm>>) target(%arg5 : memref<8192xf32, #tpu.memory_space<vmem>>) target_semaphore(%run_scoped3A : memref<!tpu.dma_semaphore, #tpu.memory_space<semaphore_mem>>)
      %dma_wait3A = arith.constant 0 : i32
      %dma_wait3A_37 = tpu.memref_slice %arg2[%add3A_4, %dma_wait3A] : memref<64x8192xf32, #tpu.memory_space<hbm>> -> memref<1x8192xf32, #tpu.memory_space<hbm>>
      %dma_wait3A_38 = tpu.memref_squeeze %dma_wait3A_37 : memref<1x8192xf32, #tpu.memory_space<hbm>> -> memref<8192xf32, #tpu.memory_space<hbm>>
      %dma_wait3A_39 = arith.constant 0 : i32
      %dma_wait3A_40 = tpu.memref_slice %arg2[%add3A_4, %dma_wait3A_39] : memref<64x8192xf32, #tpu.memory_space<hbm>> -> memref<1x8192xf32, #tpu.memory_space<hbm>>
      %dma_wait3A_41 = tpu.memref_squeeze %dma_wait3A_40 : memref<1x8192xf32, #tpu.memory_space<hbm>> -> memref<8192xf32, #tpu.memory_space<hbm>>
      tpu.wait_dma2 semaphore(%run_scoped3A : memref<!tpu.dma_semaphore, #tpu.memory_space<semaphore_mem>>) src(%dma_wait3A_41 : memref<8192xf32, #tpu.memory_space<hbm>>) dst(%arg5 : memref<8192xf32, #tpu.memory_space<vmem>>)
      tpu.yield
    }) : () -> ()
    "tpu.region"() ({
      %run_scoped3A = tpu.sem_alloc : memref<!tpu.dma_semaphore, #tpu.memory_space<semaphore_mem>>
      %dma_start3A = arith.constant 0 : i32
      %dma_start3A_32 = tpu.memref_slice %arg3[%add3A_4, %dma_start3A] : memref<64x8192xf32, #tpu.memory_space<hbm>> -> memref<1x8192xf32, #tpu.memory_space<hbm>>
      %dma_start3A_33 = tpu.memref_squeeze %dma_start3A_32 : memref<1x8192xf32, #tpu.memory_space<hbm>> -> memref<8192xf32, #tpu.memory_space<hbm>>
      %dma_start3A_34 = arith.constant 0 : i32
      %dma_start3A_35 = tpu.memref_slice %arg3[%add3A_4, %dma_start3A_34] : memref<64x8192xf32, #tpu.memory_space<hbm>> -> memref<1x8192xf32, #tpu.memory_space<hbm>>
      %dma_start3A_36 = tpu.memref_squeeze %dma_start3A_35 : memref<1x8192xf32, #tpu.memory_space<hbm>> -> memref<8192xf32, #tpu.memory_space<hbm>>
      tpu.enqueue_dma source(%dma_start3A_36 : memref<8192xf32, #tpu.memory_space<hbm>>) target(%arg6 : memref<8192xf32, #tpu.memory_space<vmem>>) target_semaphore(%run_scoped3A : memref<!tpu.dma_semaphore, #tpu.memory_space<semaphore_mem>>)
      %dma_wait3A = arith.constant 0 : i32
      %dma_wait3A_37 = tpu.memref_slice %arg3[%add3A_4, %dma_wait3A] : memref<64x8192xf32, #tpu.memory_space<hbm>> -> memref<1x8192xf32, #tpu.memory_space<hbm>>
      %dma_wait3A_38 = tpu.memref_squeeze %dma_wait3A_37 : memref<1x8192xf32, #tpu.memory_space<hbm>> -> memref<8192xf32, #tpu.memory_space<hbm>>
      %dma_wait3A_39 = arith.constant 0 : i32
      %dma_wait3A_40 = tpu.memref_slice %arg3[%add3A_4, %dma_wait3A_39] : memref<64x8192xf32, #tpu.memory_space<hbm>> -> memref<1x8192xf32, #tpu.memory_space<hbm>>
      %dma_wait3A_41 = tpu.memref_squeeze %dma_wait3A_40 : memref<1x8192xf32, #tpu.memory_space<hbm>> -> memref<8192xf32, #tpu.memory_space<hbm>>
      tpu.wait_dma2 semaphore(%run_scoped3A : memref<!tpu.dma_semaphore, #tpu.memory_space<semaphore_mem>>) src(%dma_wait3A_41 : memref<8192xf32, #tpu.memory_space<hbm>>) dst(%arg6 : memref<8192xf32, #tpu.memory_space<vmem>>)
      tpu.yield
    }) : () -> ()
    %scan3A = arith.constant 0.00787401571 : f32
    %scan3A_5 = arith.constant 0 : i32
    %scan3A_6 = arith.constant 0 : i32
    %scan3A_7 = arith.constant 8 : i32
    %scan3A_8 = arith.addi %scan3A_6, %scan3A_7 : i32
    %scan3A_9 = arith.constant 1 : i32
    %scan3A_10 = scf.for %scan3A_32 = %scan3A_6 to %scan3A_8 step %scan3A_9 iter_args(%scan3A_33 = %scan3A_5) -> (i32)  : i32 {
      %broadcast_in_dim3A = arith.constant 0.000000e+00 : f32
      %broadcast_in_dim3A_34 = vector.broadcast %broadcast_in_dim3A : f32 to vector<16xf32>
      %scan3A_35 = arith.constant 0 : i32
      %scan3A_36 = arith.constant 16 : i32
      %scan3A_37 = arith.addi %scan3A_35, %scan3A_36 : i32
      %scan3A_38 = arith.constant 1 : i32
      %scan3A_39 = scf.for %scan3A_47 = %scan3A_35 to %scan3A_37 step %scan3A_38 iter_args(%scan3A_48 = %broadcast_in_dim3A_34) -> (vector<16xf32>)  : i32 {
        %mul3A_49 = arith.constant 16 : i32
        %mul3A_50 = arith.muli %scan3A_32, %mul3A_49 : i32
        %add3A_51 = arith.addi %mul3A_50, %scan3A_47 : i32
        %convert_element_type3A = arith.sitofp %add3A_51 : i32 to f32
        %mul3A_52 = arith.mulf %convert_element_type3A, %scan3A : f32
        %broadcast_in_dim3A_53 = arith.constant 0.000000e+00 : f32
        %broadcast_in_dim3A_54 = vector.broadcast %broadcast_in_dim3A_53 : f32 to vector<16xf32>
        %scan3A_55 = arith.constant 0 : i32
        %scan3A_56 = arith.constant 128 : i32
        %scan3A_57 = arith.addi %scan3A_55, %scan3A_56 : i32
        %scan3A_58 = arith.constant 1 : i32
        %scan3A_59:4 = scf.for %scan3A_189 = %scan3A_55 to %scan3A_57 step %scan3A_58 iter_args(%scan3A_190 = %broadcast_in_dim3A_54, %scan3A_191 = %broadcast_in_dim3A_54, %scan3A_192 = %broadcast_in_dim3A_54, %scan3A_193 = %broadcast_in_dim3A_54) -> (vector<16xf32>, vector<16xf32>, vector<16xf32>, vector<16xf32>)  : i32 {
          %mul3A_194 = arith.constant 4 : i32
          %mul3A_195 = arith.muli %scan3A_189, %mul3A_194 : i32
          %add3A_196 = arith.constant 0 : i32
          %add3A_197 = arith.addi %mul3A_195, %add3A_196 : i32
          %mul3A_198 = arith.constant 16 : i32
          %mul3A_199 = arith.muli %add3A_197, %mul3A_198 : i32
          %get3A = arith.index_cast %mul3A_199 : i32 to index
          %get3A_200 = tpu.vector_load %arg5[%get3A] {strides = array<i32>} : memref<8192xf32, #tpu.memory_space<vmem>>, vector<16xf32>,
          %get3A_201 = arith.index_cast %mul3A_199 : i32 to index
          %get3A_202 = tpu.vector_load %arg6[%get3A_201] {strides = array<i32>} : memref<8192xf32, #tpu.memory_space<vmem>>, vector<16xf32>,
          %sub3A_203 = vector.broadcast %mul3A_52 : f32 to vector<16xf32>
          %sub3A_204 = arith.subf %sub3A_203, %get3A_200 : vector<16xf32>
          %sub3A_205 = vector.broadcast %mul3A_52 : f32 to vector<16xf32>
          %sub3A_206 = arith.subf %get3A_202, %sub3A_205 : vector<16xf32>
          %min3A = arith.minimumf %sub3A_204, %sub3A_206 : vector<16xf32>
          %max3A_207 = arith.constant 0.000000e+00 : f32
          %max3A_208 = vector.broadcast %max3A_207 : f32 to vector<16xf32>
          %max3A_209 = arith.maximumf %min3A, %max3A_208 : vector<16xf32>
          %swap3A_210 = arith.index_cast %mul3A_199 : i32 to index
          %swap3A_211 = tpu.vector_load %arg7[%swap3A_210] {strides = array<i32>} : memref<8192xf32, #tpu.memory_space<vmem>>, vector<16xf32>,
          tpu.vector_store %arg7[%swap3A_210], %max3A_209 {strides = array<i32>} : memref<8192xf32, #tpu.memory_space<vmem>>, vector<16xf32>,
          %max3A_212 = arith.maximumf %scan3A_190, %max3A_209 : vector<16xf32>
          %mul3A_213 = arith.constant 4 : i32
          %mul3A_214 = arith.muli %scan3A_189, %mul3A_213 : i32
          %add3A_215 = arith.constant 1 : i32
          %add3A_216 = arith.addi %mul3A_214, %add3A_215 : i32
          %mul3A_217 = arith.constant 16 : i32
          %mul3A_218 = arith.muli %add3A_216, %mul3A_217 : i32
          %get3A_219 = arith.index_cast %mul3A_218 : i32 to index
          %get3A_220 = tpu.vector_load %arg5[%get3A_219] {strides = array<i32>} : memref<8192xf32, #tpu.memory_space<vmem>>, vector<16xf32>,
          %get3A_221 = arith.index_cast %mul3A_218 : i32 to index
          %get3A_222 = tpu.vector_load %arg6[%get3A_221] {strides = array<i32>} : memref<8192xf32, #tpu.memory_space<vmem>>, vector<16xf32>,
          %sub3A_223 = vector.broadcast %mul3A_52 : f32 to vector<16xf32>
          %sub3A_224 = arith.subf %sub3A_223, %get3A_220 : vector<16xf32>
          %sub3A_225 = vector.broadcast %mul3A_52 : f32 to vector<16xf32>
          %sub3A_226 = arith.subf %get3A_222, %sub3A_225 : vector<16xf32>
          %min3A_227 = arith.minimumf %sub3A_224, %sub3A_226 : vector<16xf32>
          %max3A_228 = arith.constant 0.000000e+00 : f32
          %max3A_229 = vector.broadcast %max3A_228 : f32 to vector<16xf32>
          %max3A_230 = arith.maximumf %min3A_227, %max3A_229 : vector<16xf32>
          %swap3A_231 = arith.index_cast %mul3A_218 : i32 to index
          %swap3A_232 = tpu.vector_load %arg7[%swap3A_231] {strides = array<i32>} : memref<8192xf32, #tpu.memory_space<vmem>>, vector<16xf32>,
          tpu.vector_store %arg7[%swap3A_231], %max3A_230 {strides = array<i32>} : memref<8192xf32, #tpu.memory_space<vmem>>, vector<16xf32>,
          %max3A_233 = arith.maximumf %scan3A_191, %max3A_230 : vector<16xf32>
          %mul3A_234 = arith.constant 4 : i32
          %mul3A_235 = arith.muli %scan3A_189, %mul3A_234 : i32
          %add3A_236 = arith.constant 2 : i32
          %add3A_237 = arith.addi %mul3A_235, %add3A_236 : i32
          %mul3A_238 = arith.constant 16 : i32
          %mul3A_239 = arith.muli %add3A_237, %mul3A_238 : i32
          %get3A_240 = arith.index_cast %mul3A_239 : i32 to index
          %get3A_241 = tpu.vector_load %arg5[%get3A_240] {strides = array<i32>} : memref<8192xf32, #tpu.memory_space<vmem>>, vector<16xf32>,
          %get3A_242 = arith.index_cast %mul3A_239 : i32 to index
          %get3A_243 = tpu.vector_load %arg6[%get3A_242] {strides = array<i32>} : memref<8192xf32, #tpu.memory_space<vmem>>, vector<16xf32>,
          %sub3A_244 = vector.broadcast %mul3A_52 : f32 to vector<16xf32>
          %sub3A_245 = arith.subf %sub3A_244, %get3A_241 : vector<16xf32>
          %sub3A_246 = vector.broadcast %mul3A_52 : f32 to vector<16xf32>
          %sub3A_247 = arith.subf %get3A_243, %sub3A_246 : vector<16xf32>
          %min3A_248 = arith.minimumf %sub3A_245, %sub3A_247 : vector<16xf32>
          %max3A_249 = arith.constant 0.000000e+00 : f32
          %max3A_250 = vector.broadcast %max3A_249 : f32 to vector<16xf32>
          %max3A_251 = arith.maximumf %min3A_248, %max3A_250 : vector<16xf32>
          %swap3A_252 = arith.index_cast %mul3A_239 : i32 to index
          %swap3A_253 = tpu.vector_load %arg7[%swap3A_252] {strides = array<i32>} : memref<8192xf32, #tpu.memory_space<vmem>>, vector<16xf32>,
          tpu.vector_store %arg7[%swap3A_252], %max3A_251 {strides = array<i32>} : memref<8192xf32, #tpu.memory_space<vmem>>, vector<16xf32>,
          %max3A_254 = arith.maximumf %scan3A_192, %max3A_251 : vector<16xf32>
          %mul3A_255 = arith.constant 4 : i32
          %mul3A_256 = arith.muli %scan3A_189, %mul3A_255 : i32
          %add3A_257 = arith.constant 3 : i32
          %add3A_258 = arith.addi %mul3A_256, %add3A_257 : i32
          %mul3A_259 = arith.constant 16 : i32
          %mul3A_260 = arith.muli %add3A_258, %mul3A_259 : i32
          %get3A_261 = arith.index_cast %mul3A_260 : i32 to index
          %get3A_262 = tpu.vector_load %arg5[%get3A_261] {strides = array<i32>} : memref<8192xf32, #tpu.memory_space<vmem>>, vector<16xf32>,
          %get3A_263 = arith.index_cast %mul3A_260 : i32 to index
          %get3A_264 = tpu.vector_load %arg6[%get3A_263] {strides = array<i32>} : memref<8192xf32, #tpu.memory_space<vmem>>, vector<16xf32>,
          %sub3A_265 = vector.broadcast %mul3A_52 : f32 to vector<16xf32>
          %sub3A_266 = arith.subf %sub3A_265, %get3A_262 : vector<16xf32>
          %sub3A_267 = vector.broadcast %mul3A_52 : f32 to vector<16xf32>
          %sub3A_268 = arith.subf %get3A_264, %sub3A_267 : vector<16xf32>
          %min3A_269 = arith.minimumf %sub3A_266, %sub3A_268 : vector<16xf32>
          %max3A_270 = arith.constant 0.000000e+00 : f32
          %max3A_271 = vector.broadcast %max3A_270 : f32 to vector<16xf32>
          %max3A_272 = arith.maximumf %min3A_269, %max3A_271 : vector<16xf32>
          %swap3A_273 = arith.index_cast %mul3A_260 : i32 to index
          %swap3A_274 = tpu.vector_load %arg7[%swap3A_273] {strides = array<i32>} : memref<8192xf32, #tpu.memory_space<vmem>>, vector<16xf32>,
          tpu.vector_store %arg7[%swap3A_273], %max3A_272 {strides = array<i32>} : memref<8192xf32, #tpu.memory_space<vmem>>, vector<16xf32>,
          %max3A_275 = arith.maximumf %scan3A_193, %max3A_272 : vector<16xf32>
          scf.yield %max3A_212, %max3A_233, %max3A_254, %max3A_275 : vector<16xf32>, vector<16xf32>, vector<16xf32>, vector<16xf32>
        }
        %scan3A_60 = arith.constant 128 : i32
        %broadcast_in_dim3A_61 = arith.constant 0 : i32
        %broadcast_in_dim3A_62 = vector.broadcast %broadcast_in_dim3A_61 : i32 to vector<16xi32>
        %broadcast_in_dim3A_63 = arith.constant 1056964608 : i32
        %broadcast_in_dim3A_64 = vector.broadcast %broadcast_in_dim3A_63 : i32 to vector<16xi32>
        %scan3A_65 = arith.constant 0 : i32
        %scan3A_66 = arith.constant 31 : i32
        %scan3A_67 = arith.addi %scan3A_65, %scan3A_66 : i32
        %scan3A_68 = arith.constant 1 : i32
        %scan3A_69:2 = scf.for %scan3A_189 = %scan3A_65 to %scan3A_67 step %scan3A_68 iter_args(%scan3A_190 = %broadcast_in_dim3A_62, %scan3A_191 = %broadcast_in_dim3A_64) -> (vector<16xi32>, vector<16xi32>)  : i32 {
          %add3A_192 = arith.addi %scan3A_190, %scan3A_191 : vector<16xi32>
          %jit3A_193 = arith.constant 2 : i32
          %div3A_194 = vector.broadcast %jit3A_193 : i32 to vector<16xi32>
          %div3A_195 = arith.divsi %add3A_192, %div3A_194 : vector<16xi32>
          %sign3A_196 = arith.constant 0 : i32
          %sign3A_197 = vector.broadcast %sign3A_196 : i32 to vector<16xi32>
          %sign3A_198 = arith.cmpi sgt, %add3A_192, %sign3A_197 : vector<16xi32>
          %sign3A_199 = arith.extui %sign3A_198 : vector<16xi1> to vector<16xi32>
          %sign3A_200 = arith.constant 0 : i32
          %sign3A_201 = vector.broadcast %sign3A_200 : i32 to vector<16xi32>
          %sign3A_202 = arith.cmpi slt, %add3A_192, %sign3A_201 : vector<16xi32>
          %sign3A_203 = arith.extui %sign3A_202 : vector<16xi1> to vector<16xi32>
          %sign3A_204 = arith.subi %sign3A_199, %sign3A_203 : vector<16xi32>
          %sign3A_205 = arith.constant 0 : i32
          %sign3A_206 = arith.cmpi sgt, %jit3A_193, %sign3A_205 : i32
          %sign3A_207 = arith.extui %sign3A_206 : i1 to i32
          %sign3A_208 = arith.constant 0 : i32
          %sign3A_209 = arith.cmpi slt, %jit3A_193, %sign3A_208 : i32
          %sign3A_210 = arith.extui %sign3A_209 : i1 to i32
          %sign3A_211 = arith.subi %sign3A_207, %sign3A_210 : i32
          %ne3A_212 = vector.broadcast %sign3A_211 : i32 to vector<16xi32>
          %ne3A_213 = arith.cmpi ne, %sign3A_204, %ne3A_212 : vector<16xi32>
          %rem3A_214 = vector.broadcast %jit3A_193 : i32 to vector<16xi32>
          %rem3A_215 = arith.remsi %add3A_192, %rem3A_214 : vector<16xi32>
          %ne3A_216 = arith.constant 0 : i32
          %ne3A_217 = vector.broadcast %ne3A_216 : i32 to vector<16xi32>
          %ne3A_218 = arith.cmpi ne, %rem3A_215, %ne3A_217 : vector<16xi32>
          %and3A_219 = arith.andi %ne3A_213, %ne3A_218 : vector<16xi1>
          %sub3A_220 = arith.constant 1 : i32
          %sub3A_221 = vector.broadcast %sub3A_220 : i32 to vector<16xi32>
          %sub3A_222 = arith.subi %div3A_195, %sub3A_221 : vector<16xi32>
          %select_n3A_223 = arith.select %and3A_219, %sub3A_222, %div3A_195 : vector<16xi1>, vector<16xi32>
          %bitcast_convert_type3A_224 = tpu.bitcast %select_n3A_223 : vector<16xi32> -> vector<16xf32>
          %gt3A = arith.cmpf ogt, %scan3A_59#0, %bitcast_convert_type3A_224 : vector<16xf32>
          %all_reduce_population_count3A = tpu.all_reduce %gt3A {dim = 0 : i64, kind = #tpu.reduction_kind<sum>} : vector<16xi1> -> vector<16xi32>
          %gt3A_225 = arith.cmpf ogt, %scan3A_59#1, %bitcast_convert_type3A_224 : vector<16xf32>
          %all_reduce_population_count3A_226 = tpu.all_reduce %gt3A_225 {dim = 0 : i64, kind = #tpu.reduction_kind<sum>} : vector<16xi1> -> vector<16xi32>
          %add3A_227 = arith.addi %all_reduce_population_count3A, %all_reduce_population_count3A_226 : vector<16xi32>
          %gt3A_228 = arith.cmpf ogt, %scan3A_59#2, %bitcast_convert_type3A_224 : vector<16xf32>
          %all_reduce_population_count3A_229 = tpu.all_reduce %gt3A_228 {dim = 0 : i64, kind = #tpu.reduction_kind<sum>} : vector<16xi1> -> vector<16xi32>
          %add3A_230 = arith.addi %add3A_227, %all_reduce_population_count3A_229 : vector<16xi32>
          %gt3A_231 = arith.cmpf ogt, %scan3A_59#3, %bitcast_convert_type3A_224 : vector<16xf32>
          %all_reduce_population_count3A_232 = tpu.all_reduce %gt3A_231 {dim = 0 : i64, kind = #tpu.reduction_kind<sum>} : vector<16xi1> -> vector<16xi32>
          %add3A_233 = arith.addi %add3A_230, %all_reduce_population_count3A_232 : vector<16xi32>
          %ge3A = arith.constant 32 : i32
          %ge3A_234 = vector.broadcast %ge3A : i32 to vector<16xi32>
          %ge3A_235 = arith.cmpi sge, %add3A_233, %ge3A_234 : vector<16xi32>
          %select_n3A_236 = arith.select %ge3A_235, %select_n3A_223, %scan3A_190 : vector<16xi1>, vector<16xi32>
          %select_n3A_237 = arith.select %ge3A_235, %scan3A_191, %select_n3A_223 : vector<16xi1>, vector<16xi32>
          scf.yield %select_n3A_236, %select_n3A_237 : vector<16xi32>, vector<16xi32>
        }
        %scan3A_70 = arith.constant 31 : i32
        %bitcast_convert_type3A = tpu.bitcast %scan3A_69#1 : vector<16xi32> -> vector<16xf32>
        %scan3A_71 = arith.constant 0 : i32
        %scan3A_72 = arith.constant 512 : i32
        %scan3A_73 = arith.addi %scan3A_71, %scan3A_72 : i32
        %scan3A_74 = arith.constant 1 : i32
        %scan3A_75 = scf.for %scan3A_189 = %scan3A_71 to %scan3A_73 step %scan3A_74 iter_args(%scan3A_190 = %iota3A) -> (vector<16xi32>)  : i32 {
          %mul3A_191 = arith.constant 16 : i32
          %mul3A_192 = arith.muli %scan3A_189, %mul3A_191 : i32
          %get3A = arith.index_cast %mul3A_192 : i32 to index
          %get3A_193 = tpu.vector_load %arg7[%get3A] {strides = array<i32>} : memref<8192xf32, #tpu.memory_space<vmem>>, vector<16xf32>,
          %gt3A = arith.cmpf ogt, %get3A_193, %bitcast_convert_type3A : vector<16xf32>
          tpu.vector_store_idx %arg8[%scan3A_190], %get3A_193 masked %gt3A : memref<8192xf32, #tpu.memory_space<vmem>>[vector<16xi32>], vector<16xf32>, vector<16xi1>
          %convert_element_type3A_194 = arith.extui %gt3A : vector<16xi1> to vector<16xi32>
          %mul3A_195 = arith.constant 16 : i32
          %mul3A_196 = vector.broadcast %mul3A_195 : i32 to vector<16xi32>
          %mul3A_197 = arith.muli %convert_element_type3A_194, %mul3A_196 : vector<16xi32>
          %add3A_198 = arith.addi %scan3A_190, %mul3A_197 : vector<16xi32>
          scf.yield %add3A_198 : vector<16xi32>
        }
        %scan3A_76 = arith.constant 512 : i32
        %sub3A = arith.subi %scan3A_75, %iota3A : vector<16xi32>
        %jit3A = arith.constant 16 : i32
        %div3A = vector.broadcast %jit3A : i32 to vector<16xi32>
        %div3A_77 = arith.divsi %sub3A, %div3A : vector<16xi32>
        %sign3A = arith.constant 0 : i32
        %sign3A_78 = vector.broadcast %sign3A : i32 to vector<16xi32>
        %sign3A_79 = arith.cmpi sgt, %sub3A, %sign3A_78 : vector<16xi32>
        %sign3A_80 = arith.extui %sign3A_79 : vector<16xi1> to vector<16xi32>
        %sign3A_81 = arith.constant 0 : i32
        %sign3A_82 = vector.broadcast %sign3A_81 : i32 to vector<16xi32>
        %sign3A_83 = arith.cmpi slt, %sub3A, %sign3A_82 : vector<16xi32>
        %sign3A_84 = arith.extui %sign3A_83 : vector<16xi1> to vector<16xi32>
        %sign3A_85 = arith.subi %sign3A_80, %sign3A_84 : vector<16xi32>
        %sign3A_86 = arith.constant 0 : i32
        %sign3A_87 = arith.cmpi sgt, %jit3A, %sign3A_86 : i32
        %sign3A_88 = arith.extui %sign3A_87 : i1 to i32
        %sign3A_89 = arith.constant 0 : i32
        %sign3A_90 = arith.cmpi slt, %jit3A, %sign3A_89 : i32
        %sign3A_91 = arith.extui %sign3A_90 : i1 to i32
        %sign3A_92 = arith.subi %sign3A_88, %sign3A_91 : i32
        %ne3A = vector.broadcast %sign3A_92 : i32 to vector<16xi32>
        %ne3A_93 = arith.cmpi ne, %sign3A_85, %ne3A : vector<16xi32>
        %rem3A = vector.broadcast %jit3A : i32 to vector<16xi32>
        %rem3A_94 = arith.remsi %sub3A, %rem3A : vector<16xi32>
        %ne3A_95 = arith.constant 0 : i32
        %ne3A_96 = vector.broadcast %ne3A_95 : i32 to vector<16xi32>
        %ne3A_97 = arith.cmpi ne, %rem3A_94, %ne3A_96 : vector<16xi32>
        %and3A = arith.andi %ne3A_93, %ne3A_97 : vector<16xi1>
        %sub3A_98 = arith.constant 1 : i32
        %sub3A_99 = vector.broadcast %sub3A_98 : i32 to vector<16xi32>
        %sub3A_100 = arith.subi %div3A_77, %sub3A_99 : vector<16xi32>
        %select_n3A = arith.select %and3A, %sub3A_100, %div3A_77 : vector<16xi1>, vector<16xi32>
        %convert_element_type3A_101 = arith.sitofp %select_n3A : vector<16xi32> to vector<16xf32>
        %iota3A_102 = tpu.iota {dimensions = array<i32: 0>} : vector<16xi32>
        %swap3A_103 = arith.constant 0 : index
        %swap3A_104 = tpu.vector_load %arg9[%swap3A_103] {strides = array<i32>} : memref<16xf32, #tpu.memory_space<vmem>>, vector<16xf32>,
        tpu.vector_store %arg9[%swap3A_103], %convert_element_type3A_101 {strides = array<i32>} : memref<16xf32, #tpu.memory_space<vmem>>, vector<16xf32>,
        %xor3A = arith.constant 8 : i32
        %xor3A_105 = vector.broadcast %xor3A : i32 to vector<16xi32>
        %xor3A_106 = arith.xori %iota3A_102, %xor3A_105 : vector<16xi32>
        %gather3A = tpu.vector_load_idx %arg9[%xor3A_106] : memref<16xf32, #tpu.memory_space<vmem>>[vector<16xi32>], vector<16xf32>,
        %max3A = arith.maximumf %convert_element_type3A_101, %gather3A : vector<16xf32>
        %swap3A_107 = arith.constant 0 : index
        %swap3A_108 = tpu.vector_load %arg9[%swap3A_107] {strides = array<i32>} : memref<16xf32, #tpu.memory_space<vmem>>, vector<16xf32>,
        tpu.vector_store %arg9[%swap3A_107], %max3A {strides = array<i32>} : memref<16xf32, #tpu.memory_space<vmem>>, vector<16xf32>,
        %xor3A_109 = arith.constant 4 : i32
        %xor3A_110 = vector.broadcast %xor3A_109 : i32 to vector<16xi32>
        %xor3A_111 = arith.xori %iota3A_102, %xor3A_110 : vector<16xi32>
        %gather3A_112 = tpu.vector_load_idx %arg9[%xor3A_111] : memref<16xf32, #tpu.memory_space<vmem>>[vector<16xi32>], vector<16xf32>,
        %max3A_113 = arith.maximumf %max3A, %gather3A_112 : vector<16xf32>
        %swap3A_114 = arith.constant 0 : index
        %swap3A_115 = tpu.vector_load %arg9[%swap3A_114] {strides = array<i32>} : memref<16xf32, #tpu.memory_space<vmem>>, vector<16xf32>,
        tpu.vector_store %arg9[%swap3A_114], %max3A_113 {strides = array<i32>} : memref<16xf32, #tpu.memory_space<vmem>>, vector<16xf32>,
        %xor3A_116 = arith.constant 2 : i32
        %xor3A_117 = vector.broadcast %xor3A_116 : i32 to vector<16xi32>
        %xor3A_118 = arith.xori %iota3A_102, %xor3A_117 : vector<16xi32>
        %gather3A_119 = tpu.vector_load_idx %arg9[%xor3A_118] : memref<16xf32, #tpu.memory_space<vmem>>[vector<16xi32>], vector<16xf32>,
        %max3A_120 = arith.maximumf %max3A_113, %gather3A_119 : vector<16xf32>
        %swap3A_121 = arith.constant 0 : index
        %swap3A_122 = tpu.vector_load %arg9[%swap3A_121] {strides = array<i32>} : memref<16xf32, #tpu.memory_space<vmem>>, vector<16xf32>,
        tpu.vector_store %arg9[%swap3A_121], %max3A_120 {strides = array<i32>} : memref<16xf32, #tpu.memory_space<vmem>>, vector<16xf32>,
        %xor3A_123 = arith.constant 1 : i32
        %xor3A_124 = vector.broadcast %xor3A_123 : i32 to vector<16xi32>
        %xor3A_125 = arith.xori %iota3A_102, %xor3A_124 : vector<16xi32>
        %gather3A_126 = tpu.vector_load_idx %arg9[%xor3A_125] : memref<16xf32, #tpu.memory_space<vmem>>[vector<16xi32>], vector<16xf32>,
        %max3A_127 = arith.maximumf %max3A_120, %gather3A_126 : vector<16xf32>
        %slice3A = vector.extract_strided_slice %max3A_127 {offsets = [0], sizes = [1], strides = [1]} : vector<16xf32> to vector<1xf32>
        %squeeze3A = vector.extract %slice3A[0] : f32 from vector<1xf32>
        %convert_element_type3A_128 = arith.fptosi %squeeze3A : f32 to i32
        %broadcast_in_dim3A_129 = arith.constant 1056964608 : i32
        %broadcast_in_dim3A_130 = vector.broadcast %broadcast_in_dim3A_129 : i32 to vector<16xi32>
        %scan3A_131 = arith.constant 0 : i32
        %scan3A_132 = arith.constant 31 : i32
        %scan3A_133 = arith.addi %scan3A_131, %scan3A_132 : i32
        %scan3A_134 = arith.constant 1 : i32
        %scan3A_135:2 = scf.for %scan3A_189 = %scan3A_131 to %scan3A_133 step %scan3A_134 iter_args(%scan3A_190 = %scan3A_69#1, %scan3A_191 = %broadcast_in_dim3A_130) -> (vector<16xi32>, vector<16xi32>)  : i32 {
          %add3A_192 = arith.addi %scan3A_190, %scan3A_191 : vector<16xi32>
          %jit3A_193 = arith.constant 2 : i32
          %div3A_194 = vector.broadcast %jit3A_193 : i32 to vector<16xi32>
          %div3A_195 = arith.divsi %add3A_192, %div3A_194 : vector<16xi32>
          %sign3A_196 = arith.constant 0 : i32
          %sign3A_197 = vector.broadcast %sign3A_196 : i32 to vector<16xi32>
          %sign3A_198 = arith.cmpi sgt, %add3A_192, %sign3A_197 : vector<16xi32>
          %sign3A_199 = arith.extui %sign3A_198 : vector<16xi1> to vector<16xi32>
          %sign3A_200 = arith.constant 0 : i32
          %sign3A_201 = vector.broadcast %sign3A_200 : i32 to vector<16xi32>
          %sign3A_202 = arith.cmpi slt, %add3A_192, %sign3A_201 : vector<16xi32>
          %sign3A_203 = arith.extui %sign3A_202 : vector<16xi1> to vector<16xi32>
          %sign3A_204 = arith.subi %sign3A_199, %sign3A_203 : vector<16xi32>
          %sign3A_205 = arith.constant 0 : i32
          %sign3A_206 = arith.cmpi sgt, %jit3A_193, %sign3A_205 : i32
          %sign3A_207 = arith.extui %sign3A_206 : i1 to i32
          %sign3A_208 = arith.constant 0 : i32
          %sign3A_209 = arith.cmpi slt, %jit3A_193, %sign3A_208 : i32
          %sign3A_210 = arith.extui %sign3A_209 : i1 to i32
          %sign3A_211 = arith.subi %sign3A_207, %sign3A_210 : i32
          %ne3A_212 = vector.broadcast %sign3A_211 : i32 to vector<16xi32>
          %ne3A_213 = arith.cmpi ne, %sign3A_204, %ne3A_212 : vector<16xi32>
          %rem3A_214 = vector.broadcast %jit3A_193 : i32 to vector<16xi32>
          %rem3A_215 = arith.remsi %add3A_192, %rem3A_214 : vector<16xi32>
          %ne3A_216 = arith.constant 0 : i32
          %ne3A_217 = vector.broadcast %ne3A_216 : i32 to vector<16xi32>
          %ne3A_218 = arith.cmpi ne, %rem3A_215, %ne3A_217 : vector<16xi32>
          %and3A_219 = arith.andi %ne3A_213, %ne3A_218 : vector<16xi1>
          %sub3A_220 = arith.constant 1 : i32
          %sub3A_221 = vector.broadcast %sub3A_220 : i32 to vector<16xi32>
          %sub3A_222 = arith.subi %div3A_195, %sub3A_221 : vector<16xi32>
          %select_n3A_223 = arith.select %and3A_219, %sub3A_222, %div3A_195 : vector<16xi1>, vector<16xi32>
          %bitcast_convert_type3A_224 = tpu.bitcast %select_n3A_223 : vector<16xi32> -> vector<16xf32>
          %add3A_225 = arith.addi %scan3A_190, %scan3A_191 : vector<16xi32>
          %jit3A_226 = arith.constant 2 : i32
          %div3A_227 = vector.broadcast %jit3A_226 : i32 to vector<16xi32>
          %div3A_228 = arith.divsi %add3A_225, %div3A_227 : vector<16xi32>
          %sign3A_229 = arith.constant 0 : i32
          %sign3A_230 = vector.broadcast %sign3A_229 : i32 to vector<16xi32>
          %sign3A_231 = arith.cmpi sgt, %add3A_225, %sign3A_230 : vector<16xi32>
          %sign3A_232 = arith.extui %sign3A_231 : vector<16xi1> to vector<16xi32>
          %sign3A_233 = arith.constant 0 : i32
          %sign3A_234 = vector.broadcast %sign3A_233 : i32 to vector<16xi32>
          %sign3A_235 = arith.cmpi slt, %add3A_225, %sign3A_234 : vector<16xi32>
          %sign3A_236 = arith.extui %sign3A_235 : vector<16xi1> to vector<16xi32>
          %sign3A_237 = arith.subi %sign3A_232, %sign3A_236 : vector<16xi32>
          %sign3A_238 = arith.constant 0 : i32
          %sign3A_239 = arith.cmpi sgt, %jit3A_226, %sign3A_238 : i32
          %sign3A_240 = arith.extui %sign3A_239 : i1 to i32
          %sign3A_241 = arith.constant 0 : i32
          %sign3A_242 = arith.cmpi slt, %jit3A_226, %sign3A_241 : i32
          %sign3A_243 = arith.extui %sign3A_242 : i1 to i32
          %sign3A_244 = arith.subi %sign3A_240, %sign3A_243 : i32
          %ne3A_245 = vector.broadcast %sign3A_244 : i32 to vector<16xi32>
          %ne3A_246 = arith.cmpi ne, %sign3A_237, %ne3A_245 : vector<16xi32>
          %rem3A_247 = vector.broadcast %jit3A_226 : i32 to vector<16xi32>
          %rem3A_248 = arith.remsi %add3A_225, %rem3A_247 : vector<16xi32>
          %ne3A_249 = arith.constant 0 : i32
          %ne3A_250 = vector.broadcast %ne3A_249 : i32 to vector<16xi32>
          %ne3A_251 = arith.cmpi ne, %rem3A_248, %ne3A_250 : vector<16xi32>
          %and3A_252 = arith.andi %ne3A_246, %ne3A_251 : vector<16xi1>
          %sub3A_253 = arith.constant 1 : i32
          %sub3A_254 = vector.broadcast %sub3A_253 : i32 to vector<16xi32>
          %sub3A_255 = arith.subi %div3A_228, %sub3A_254 : vector<16xi32>
          %select_n3A_256 = arith.select %and3A_252, %sub3A_255, %div3A_228 : vector<16xi1>, vector<16xi32>
          %broadcast_in_dim3A_257 = arith.constant 0 : i32
          %broadcast_in_dim3A_258 = vector.broadcast %broadcast_in_dim3A_257 : i32 to vector<16xi32>
          %while3A_259 = arith.constant 0 : i32
          %while3A_260 = arith.subi %convert_element_type3A_128, %while3A_259 : i32
          %while3A_261 = arith.addi %while3A_259, %while3A_260 : i32
          %while3A_262 = arith.constant 1 : i32
          %while3A_263 = arith.divsi %while3A_260, %while3A_262 : i32
          %while3A_264 = arith.muli %while3A_263, %while3A_262 : i32
          %while3A_265 = arith.addi %while3A_259, %while3A_264 : i32
          %while3A_266 = arith.constant 1 : i32
          %while3A_267 = scf.for %while3A_274 = %while3A_259 to %while3A_265 step %while3A_266 iter_args(%while3A_275 = %broadcast_in_dim3A_258) -> (vector<16xi32>)  : i32 {
            %mul3A_276 = arith.constant 16 : i32
            %mul3A_277 = arith.muli %while3A_274, %mul3A_276 : i32
            %get3A = arith.index_cast %mul3A_277 : i32 to index
            %get3A_278 = tpu.vector_load %arg8[%get3A] {strides = array<i32>} : memref<8192xf32, #tpu.memory_space<vmem>>, vector<16xf32>,
            %gt3A = arith.cmpf ogt, %get3A_278, %bitcast_convert_type3A_224 : vector<16xf32>
            %lt3A = vector.broadcast %while3A_274 : i32 to vector<16xi32>
            %lt3A_279 = arith.cmpi slt, %lt3A, %select_n3A : vector<16xi32>
            %and3A_280 = arith.andi %gt3A, %lt3A_279 : vector<16xi1>
            %all_reduce_population_count3A = tpu.all_reduce %and3A_280 {dim = 0 : i64, kind = #tpu.reduction_kind<sum>} : vector<16xi1> -> vector<16xi32>
            %add3A_281 = arith.addi %while3A_275, %all_reduce_population_count3A : vector<16xi32>
            scf.yield %add3A_281 : vector<16xi32>
          }
          %while3A_268 = arith.constant 1 : i32
          %while3A_269 = scf.for %while3A_274 = %while3A_265 to %while3A_261 step %while3A_268 iter_args(%while3A_275 = %while3A_267) -> (vector<16xi32>)  : i32 {
            %mul3A_276 = arith.constant 16 : i32
            %mul3A_277 = arith.muli %while3A_274, %mul3A_276 : i32
            %get3A = arith.index_cast %mul3A_277 : i32 to index
            %get3A_278 = tpu.vector_load %arg8[%get3A] {strides = array<i32>} : memref<8192xf32, #tpu.memory_space<vmem>>, vector<16xf32>,
            %gt3A = arith.cmpf ogt, %get3A_278, %bitcast_convert_type3A_224 : vector<16xf32>
            %lt3A = vector.broadcast %while3A_274 : i32 to vector<16xi32>
            %lt3A_279 = arith.cmpi slt, %lt3A, %select_n3A : vector<16xi32>
            %and3A_280 = arith.andi %gt3A, %lt3A_279 : vector<16xi1>
            %all_reduce_population_count3A = tpu.all_reduce %and3A_280 {dim = 0 : i64, kind = #tpu.reduction_kind<sum>} : vector<16xi1> -> vector<16xi32>
            %add3A_281 = arith.addi %while3A_275, %all_reduce_population_count3A : vector<16xi32>
            scf.yield %add3A_281 : vector<16xi32>
          }
          %ge3A = arith.constant 32 : i32
          %ge3A_270 = vector.broadcast %ge3A : i32 to vector<16xi32>
          %ge3A_271 = arith.cmpi sge, %while3A_269, %ge3A_270 : vector<16xi32>
          %select_n3A_272 = arith.select %ge3A_271, %select_n3A_256, %scan3A_190 : vector<16xi1>, vector<16xi32>
          %select_n3A_273 = arith.select %ge3A_271, %scan3A_191, %select_n3A_256 : vector<16xi1>, vector<16xi32>
          scf.yield %select_n3A_272, %select_n3A_273 : vector<16xi32>, vector<16xi32>
        }
        %scan3A_136 = arith.constant 31 : i32
        %bitcast_convert_type3A_137 = tpu.bitcast %scan3A_135#1 : vector<16xi32> -> vector<16xf32>
        %broadcast_in_dim3A_138 = arith.constant 0.000000e+00 : f32
        %broadcast_in_dim3A_139 = vector.broadcast %broadcast_in_dim3A_138 : f32 to vector<16xf32>
        %broadcast_in_dim3A_140 = arith.constant 0 : i32
        %broadcast_in_dim3A_141 = vector.broadcast %broadcast_in_dim3A_140 : i32 to vector<16xi32>
        %while3A = arith.constant 0 : i32
        %while3A_142 = arith.subi %convert_element_type3A_128, %while3A : i32
        %while3A_143 = arith.addi %while3A, %while3A_142 : i32
        %while3A_144 = arith.constant 1 : i32
        %while3A_145 = arith.divsi %while3A_142, %while3A_144 : i32
        %while3A_146 = arith.muli %while3A_145, %while3A_144 : i32
        %while3A_147 = arith.addi %while3A, %while3A_146 : i32
        %while3A_148 = arith.constant 1 : i32
        %while3A_149:2 = scf.for %while3A_189 = %while3A to %while3A_147 step %while3A_148 iter_args(%while3A_190 = %broadcast_in_dim3A_139, %while3A_191 = %broadcast_in_dim3A_141) -> (vector<16xf32>, vector<16xi32>)  : i32 {
          %mul3A_192 = arith.constant 16 : i32
          %mul3A_193 = arith.muli %while3A_189, %mul3A_192 : i32
          %get3A = arith.index_cast %mul3A_193 : i32 to index
          %get3A_194 = tpu.vector_load %arg8[%get3A] {strides = array<i32>} : memref<8192xf32, #tpu.memory_space<vmem>>, vector<16xf32>,
          %gt3A = arith.cmpf ogt, %get3A_194, %bitcast_convert_type3A_137 : vector<16xf32>
          %lt3A = vector.broadcast %while3A_189 : i32 to vector<16xi32>
          %lt3A_195 = arith.cmpi slt, %lt3A, %select_n3A : vector<16xi32>
          %and3A_196 = arith.andi %gt3A, %lt3A_195 : vector<16xi1>
          %jit3A_197 = arith.constant 0.000000e+00 : f32
          %broadcast_in_dim3A_198 = vector.broadcast %jit3A_197 : f32 to vector<16xf32>
          %select_n3A_199 = arith.select %and3A_196, %get3A_194, %broadcast_in_dim3A_198 : vector<16xi1>, vector<16xf32>
          %add3A_200 = arith.addf %while3A_190, %select_n3A_199 : vector<16xf32>
          %all_reduce_population_count3A = tpu.all_reduce %and3A_196 {dim = 0 : i64, kind = #tpu.reduction_kind<sum>} : vector<16xi1> -> vector<16xi32>
          %add3A_201 = arith.addi %while3A_191, %all_reduce_population_count3A : vector<16xi32>
          scf.yield %add3A_200, %add3A_201 : vector<16xf32>, vector<16xi32>
        }
        %while3A_150 = arith.constant 1 : i32
        %while3A_151:2 = scf.for %while3A_189 = %while3A_147 to %while3A_143 step %while3A_150 iter_args(%while3A_190 = %while3A_149#0, %while3A_191 = %while3A_149#1) -> (vector<16xf32>, vector<16xi32>)  : i32 {
          %mul3A_192 = arith.constant 16 : i32
          %mul3A_193 = arith.muli %while3A_189, %mul3A_192 : i32
          %get3A = arith.index_cast %mul3A_193 : i32 to index
          %get3A_194 = tpu.vector_load %arg8[%get3A] {strides = array<i32>} : memref<8192xf32, #tpu.memory_space<vmem>>, vector<16xf32>,
          %gt3A = arith.cmpf ogt, %get3A_194, %bitcast_convert_type3A_137 : vector<16xf32>
          %lt3A = vector.broadcast %while3A_189 : i32 to vector<16xi32>
          %lt3A_195 = arith.cmpi slt, %lt3A, %select_n3A : vector<16xi32>
          %and3A_196 = arith.andi %gt3A, %lt3A_195 : vector<16xi1>
          %jit3A_197 = arith.constant 0.000000e+00 : f32
          %broadcast_in_dim3A_198 = vector.broadcast %jit3A_197 : f32 to vector<16xf32>
          %select_n3A_199 = arith.select %and3A_196, %get3A_194, %broadcast_in_dim3A_198 : vector<16xi1>, vector<16xf32>
          %add3A_200 = arith.addf %while3A_190, %select_n3A_199 : vector<16xf32>
          %all_reduce_population_count3A = tpu.all_reduce %and3A_196 {dim = 0 : i64, kind = #tpu.reduction_kind<sum>} : vector<16xi1> -> vector<16xi32>
          %add3A_201 = arith.addi %while3A_191, %all_reduce_population_count3A : vector<16xi32>
          scf.yield %add3A_200, %add3A_201 : vector<16xf32>, vector<16xi32>
        }
        %iota3A_152 = tpu.iota {dimensions = array<i32: 0>} : vector<16xi32>
        %swap3A_153 = arith.constant 0 : index
        %swap3A_154 = tpu.vector_load %arg9[%swap3A_153] {strides = array<i32>} : memref<16xf32, #tpu.memory_space<vmem>>, vector<16xf32>,
        tpu.vector_store %arg9[%swap3A_153], %while3A_151#0 {strides = array<i32>} : memref<16xf32, #tpu.memory_space<vmem>>, vector<16xf32>,
        %xor3A_155 = arith.constant 8 : i32
        %xor3A_156 = vector.broadcast %xor3A_155 : i32 to vector<16xi32>
        %xor3A_157 = arith.xori %iota3A_152, %xor3A_156 : vector<16xi32>
        %gather3A_158 = tpu.vector_load_idx %arg9[%xor3A_157] : memref<16xf32, #tpu.memory_space<vmem>>[vector<16xi32>], vector<16xf32>,
        %add3A_159 = arith.addf %while3A_151#0, %gather3A_158 : vector<16xf32>
        %swap3A_160 = arith.constant 0 : index
        %swap3A_161 = tpu.vector_load %arg9[%swap3A_160] {strides = array<i32>} : memref<16xf32, #tpu.memory_space<vmem>>, vector<16xf32>,
        tpu.vector_store %arg9[%swap3A_160], %add3A_159 {strides = array<i32>} : memref<16xf32, #tpu.memory_space<vmem>>, vector<16xf32>,
        %xor3A_162 = arith.constant 4 : i32
        %xor3A_163 = vector.broadcast %xor3A_162 : i32 to vector<16xi32>
        %xor3A_164 = arith.xori %iota3A_152, %xor3A_163 : vector<16xi32>
        %gather3A_165 = tpu.vector_load_idx %arg9[%xor3A_164] : memref<16xf32, #tpu.memory_space<vmem>>[vector<16xi32>], vector<16xf32>,
        %add3A_166 = arith.addf %add3A_159, %gather3A_165 : vector<16xf32>
        %swap3A_167 = arith.constant 0 : index
        %swap3A_168 = tpu.vector_load %arg9[%swap3A_167] {strides = array<i32>} : memref<16xf32, #tpu.memory_space<vmem>>, vector<16xf32>,
        tpu.vector_store %arg9[%swap3A_167], %add3A_166 {strides = array<i32>} : memref<16xf32, #tpu.memory_space<vmem>>, vector<16xf32>,
        %xor3A_169 = arith.constant 2 : i32
        %xor3A_170 = vector.broadcast %xor3A_169 : i32 to vector<16xi32>
        %xor3A_171 = arith.xori %iota3A_152, %xor3A_170 : vector<16xi32>
        %gather3A_172 = tpu.vector_load_idx %arg9[%xor3A_171] : memref<16xf32, #tpu.memory_space<vmem>>[vector<16xi32>], vector<16xf32>,
        %add3A_173 = arith.addf %add3A_166, %gather3A_172 : vector<16xf32>
        %swap3A_174 = arith.constant 0 : index
        %swap3A_175 = tpu.vector_load %arg9[%swap3A_174] {strides = array<i32>} : memref<16xf32, #tpu.memory_space<vmem>>, vector<16xf32>,
        tpu.vector_store %arg9[%swap3A_174], %add3A_173 {strides = array<i32>} : memref<16xf32, #tpu.memory_space<vmem>>, vector<16xf32>,
        %xor3A_176 = arith.constant 1 : i32
        %xor3A_177 = vector.broadcast %xor3A_176 : i32 to vector<16xi32>
        %xor3A_178 = arith.xori %iota3A_152, %xor3A_177 : vector<16xi32>
        %gather3A_179 = tpu.vector_load_idx %arg9[%xor3A_178] : memref<16xf32, #tpu.memory_space<vmem>>[vector<16xi32>], vector<16xf32>,
        %add3A_180 = arith.addf %add3A_173, %gather3A_179 : vector<16xf32>
        %sub3A_181 = arith.constant 32 : i32
        %sub3A_182 = vector.broadcast %sub3A_181 : i32 to vector<16xi32>
        %sub3A_183 = arith.subi %sub3A_182, %while3A_151#1 : vector<16xi32>
        %convert_element_type3A_184 = arith.sitofp %sub3A_183 : vector<16xi32> to vector<16xf32>
        %mul3A_185 = arith.mulf %convert_element_type3A_184, %bitcast_convert_type3A_137 : vector<16xf32>
        %add3A_186 = arith.addf %add3A_180, %mul3A_185 : vector<16xf32>
        %eq3A = vector.broadcast %scan3A_47 : i32 to vector<16xi32>
        %eq3A_187 = arith.cmpi eq, %iota3A, %eq3A : vector<16xi32>
        %select_n3A_188 = arith.select %eq3A_187, %add3A_186, %scan3A_48 : vector<16xi1>, vector<16xf32>
        scf.yield %select_n3A_188 : vector<16xf32>
      }
      %scan3A_40 = arith.constant 16 : i32
      %mul3A_41 = arith.constant 16 : i32
      %mul3A_42 = arith.muli %scan3A_32, %mul3A_41 : i32
      %add3A_43 = arith.constant 0 : i32
      %add3A_44 = arith.addi %add3A_43, %mul3A_42 : i32
      %swap3A = arith.index_cast %add3A_44 : i32 to index
      %swap3A_45 = tpu.vector_load %arg10[%swap3A] {strides = array<i32>} : memref<256xf32, #tpu.memory_space<vmem>>, vector<16xf32>,
      tpu.vector_store %arg10[%swap3A], %scan3A_39 {strides = array<i32>} : memref<256xf32, #tpu.memory_space<vmem>>, vector<16xf32>,
      %scan3A_46 = arith.constant 0 : i32
      scf.yield %scan3A_46 : i32
    }
    %scan3A_11 = arith.constant 8 : i32
    %mul3A_12 = arith.constant 2 : i32
    %mul3A_13 = arith.muli %add3A, %mul3A_12 : i32
    %add3A_14 = arith.constant 1 : i32
    %add3A_15 = arith.addi %mul3A_13, %add3A_14 : i32
    "tpu.region"() ({
      %run_scoped3A = tpu.sem_alloc : memref<!tpu.dma_semaphore, #tpu.memory_space<semaphore_mem>>
      %dma_start3A = arith.constant 0 : i32
      %dma_start3A_32 = tpu.memref_slice %arg2[%add3A_15, %dma_start3A] : memref<64x8192xf32, #tpu.memory_space<hbm>> -> memref<1x8192xf32, #tpu.memory_space<hbm>>
      %dma_start3A_33 = tpu.memref_squeeze %dma_start3A_32 : memref<1x8192xf32, #tpu.memory_space<hbm>> -> memref<8192xf32, #tpu.memory_space<hbm>>
      %dma_start3A_34 = arith.constant 0 : i32
      %dma_start3A_35 = tpu.memref_slice %arg2[%add3A_15, %dma_start3A_34] : memref<64x8192xf32, #tpu.memory_space<hbm>> -> memref<1x8192xf32, #tpu.memory_space<hbm>>
      %dma_start3A_36 = tpu.memref_squeeze %dma_start3A_35 : memref<1x8192xf32, #tpu.memory_space<hbm>> -> memref<8192xf32, #tpu.memory_space<hbm>>
      tpu.enqueue_dma source(%dma_start3A_36 : memref<8192xf32, #tpu.memory_space<hbm>>) target(%arg5 : memref<8192xf32, #tpu.memory_space<vmem>>) target_semaphore(%run_scoped3A : memref<!tpu.dma_semaphore, #tpu.memory_space<semaphore_mem>>)
      %dma_wait3A = arith.constant 0 : i32
      %dma_wait3A_37 = tpu.memref_slice %arg2[%add3A_15, %dma_wait3A] : memref<64x8192xf32, #tpu.memory_space<hbm>> -> memref<1x8192xf32, #tpu.memory_space<hbm>>
      %dma_wait3A_38 = tpu.memref_squeeze %dma_wait3A_37 : memref<1x8192xf32, #tpu.memory_space<hbm>> -> memref<8192xf32, #tpu.memory_space<hbm>>
      %dma_wait3A_39 = arith.constant 0 : i32
      %dma_wait3A_40 = tpu.memref_slice %arg2[%add3A_15, %dma_wait3A_39] : memref<64x8192xf32, #tpu.memory_space<hbm>> -> memref<1x8192xf32, #tpu.memory_space<hbm>>
      %dma_wait3A_41 = tpu.memref_squeeze %dma_wait3A_40 : memref<1x8192xf32, #tpu.memory_space<hbm>> -> memref<8192xf32, #tpu.memory_space<hbm>>
      tpu.wait_dma2 semaphore(%run_scoped3A : memref<!tpu.dma_semaphore, #tpu.memory_space<semaphore_mem>>) src(%dma_wait3A_41 : memref<8192xf32, #tpu.memory_space<hbm>>) dst(%arg5 : memref<8192xf32, #tpu.memory_space<vmem>>)
      tpu.yield
    }) : () -> ()
    "tpu.region"() ({
      %run_scoped3A = tpu.sem_alloc : memref<!tpu.dma_semaphore, #tpu.memory_space<semaphore_mem>>
      %dma_start3A = arith.constant 0 : i32
      %dma_start3A_32 = tpu.memref_slice %arg3[%add3A_15, %dma_start3A] : memref<64x8192xf32, #tpu.memory_space<hbm>> -> memref<1x8192xf32, #tpu.memory_space<hbm>>
      %dma_start3A_33 = tpu.memref_squeeze %dma_start3A_32 : memref<1x8192xf32, #tpu.memory_space<hbm>> -> memref<8192xf32, #tpu.memory_space<hbm>>
      %dma_start3A_34 = arith.constant 0 : i32
      %dma_start3A_35 = tpu.memref_slice %arg3[%add3A_15, %dma_start3A_34] : memref<64x8192xf32, #tpu.memory_space<hbm>> -> memref<1x8192xf32, #tpu.memory_space<hbm>>
      %dma_start3A_36 = tpu.memref_squeeze %dma_start3A_35 : memref<1x8192xf32, #tpu.memory_space<hbm>> -> memref<8192xf32, #tpu.memory_space<hbm>>
      tpu.enqueue_dma source(%dma_start3A_36 : memref<8192xf32, #tpu.memory_space<hbm>>) target(%arg6 : memref<8192xf32, #tpu.memory_space<vmem>>) target_semaphore(%run_scoped3A : memref<!tpu.dma_semaphore, #tpu.memory_space<semaphore_mem>>)
      %dma_wait3A = arith.constant 0 : i32
      %dma_wait3A_37 = tpu.memref_slice %arg3[%add3A_15, %dma_wait3A] : memref<64x8192xf32, #tpu.memory_space<hbm>> -> memref<1x8192xf32, #tpu.memory_space<hbm>>
      %dma_wait3A_38 = tpu.memref_squeeze %dma_wait3A_37 : memref<1x8192xf32, #tpu.memory_space<hbm>> -> memref<8192xf32, #tpu.memory_space<hbm>>
      %dma_wait3A_39 = arith.constant 0 : i32
      %dma_wait3A_40 = tpu.memref_slice %arg3[%add3A_15, %dma_wait3A_39] : memref<64x8192xf32, #tpu.memory_space<hbm>> -> memref<1x8192xf32, #tpu.memory_space<hbm>>
      %dma_wait3A_41 = tpu.memref_squeeze %dma_wait3A_40 : memref<1x8192xf32, #tpu.memory_space<hbm>> -> memref<8192xf32, #tpu.memory_space<hbm>>
      tpu.wait_dma2 semaphore(%run_scoped3A : memref<!tpu.dma_semaphore, #tpu.memory_space<semaphore_mem>>) src(%dma_wait3A_41 : memref<8192xf32, #tpu.memory_space<hbm>>) dst(%arg6 : memref<8192xf32, #tpu.memory_space<vmem>>)
      tpu.yield
    }) : () -> ()
    %scan3A_16 = arith.constant 0.00787401571 : f32
    %scan3A_17 = arith.constant 0 : i32
    %scan3A_18 = arith.constant 0 : i32
    %scan3A_19 = arith.constant 8 : i32
    %scan3A_20 = arith.addi %scan3A_18, %scan3A_19 : i32
    %scan3A_21 = arith.constant 1 : i32
    %scan3A_22 = scf.for %scan3A_32 = %scan3A_18 to %scan3A_20 step %scan3A_21 iter_args(%scan3A_33 = %scan3A_17) -> (i32)  : i32 {
      %broadcast_in_dim3A = arith.constant 0.000000e+00 : f32
      %broadcast_in_dim3A_34 = vector.broadcast %broadcast_in_dim3A : f32 to vector<16xf32>
      %scan3A_35 = arith.constant 0 : i32
      %scan3A_36 = arith.constant 16 : i32
      %scan3A_37 = arith.addi %scan3A_35, %scan3A_36 : i32
      %scan3A_38 = arith.constant 1 : i32
      %scan3A_39 = scf.for %scan3A_47 = %scan3A_35 to %scan3A_37 step %scan3A_38 iter_args(%scan3A_48 = %broadcast_in_dim3A_34) -> (vector<16xf32>)  : i32 {
        %mul3A_49 = arith.constant 16 : i32
        %mul3A_50 = arith.muli %scan3A_32, %mul3A_49 : i32
        %add3A_51 = arith.addi %mul3A_50, %scan3A_47 : i32
        %convert_element_type3A = arith.sitofp %add3A_51 : i32 to f32
        %mul3A_52 = arith.mulf %convert_element_type3A, %scan3A_16 : f32
        %broadcast_in_dim3A_53 = arith.constant 0.000000e+00 : f32
        %broadcast_in_dim3A_54 = vector.broadcast %broadcast_in_dim3A_53 : f32 to vector<16xf32>
        %scan3A_55 = arith.constant 0 : i32
        %scan3A_56 = arith.constant 128 : i32
        %scan3A_57 = arith.addi %scan3A_55, %scan3A_56 : i32
        %scan3A_58 = arith.constant 1 : i32
        %scan3A_59:4 = scf.for %scan3A_189 = %scan3A_55 to %scan3A_57 step %scan3A_58 iter_args(%scan3A_190 = %broadcast_in_dim3A_54, %scan3A_191 = %broadcast_in_dim3A_54, %scan3A_192 = %broadcast_in_dim3A_54, %scan3A_193 = %broadcast_in_dim3A_54) -> (vector<16xf32>, vector<16xf32>, vector<16xf32>, vector<16xf32>)  : i32 {
          %mul3A_194 = arith.constant 4 : i32
          %mul3A_195 = arith.muli %scan3A_189, %mul3A_194 : i32
          %add3A_196 = arith.constant 0 : i32
          %add3A_197 = arith.addi %mul3A_195, %add3A_196 : i32
          %mul3A_198 = arith.constant 16 : i32
          %mul3A_199 = arith.muli %add3A_197, %mul3A_198 : i32
          %get3A = arith.index_cast %mul3A_199 : i32 to index
          %get3A_200 = tpu.vector_load %arg5[%get3A] {strides = array<i32>} : memref<8192xf32, #tpu.memory_space<vmem>>, vector<16xf32>,
          %get3A_201 = arith.index_cast %mul3A_199 : i32 to index
          %get3A_202 = tpu.vector_load %arg6[%get3A_201] {strides = array<i32>} : memref<8192xf32, #tpu.memory_space<vmem>>, vector<16xf32>,
          %sub3A_203 = vector.broadcast %mul3A_52 : f32 to vector<16xf32>
          %sub3A_204 = arith.subf %sub3A_203, %get3A_200 : vector<16xf32>
          %sub3A_205 = vector.broadcast %mul3A_52 : f32 to vector<16xf32>
          %sub3A_206 = arith.subf %get3A_202, %sub3A_205 : vector<16xf32>
          %min3A = arith.minimumf %sub3A_204, %sub3A_206 : vector<16xf32>
          %max3A_207 = arith.constant 0.000000e+00 : f32
          %max3A_208 = vector.broadcast %max3A_207 : f32 to vector<16xf32>
          %max3A_209 = arith.maximumf %min3A, %max3A_208 : vector<16xf32>
          %swap3A_210 = arith.index_cast %mul3A_199 : i32 to index
          %swap3A_211 = tpu.vector_load %arg7[%swap3A_210] {strides = array<i32>} : memref<8192xf32, #tpu.memory_space<vmem>>, vector<16xf32>,
          tpu.vector_store %arg7[%swap3A_210], %max3A_209 {strides = array<i32>} : memref<8192xf32, #tpu.memory_space<vmem>>, vector<16xf32>,
          %max3A_212 = arith.maximumf %scan3A_190, %max3A_209 : vector<16xf32>
          %mul3A_213 = arith.constant 4 : i32
          %mul3A_214 = arith.muli %scan3A_189, %mul3A_213 : i32
          %add3A_215 = arith.constant 1 : i32
          %add3A_216 = arith.addi %mul3A_214, %add3A_215 : i32
          %mul3A_217 = arith.constant 16 : i32
          %mul3A_218 = arith.muli %add3A_216, %mul3A_217 : i32
          %get3A_219 = arith.index_cast %mul3A_218 : i32 to index
          %get3A_220 = tpu.vector_load %arg5[%get3A_219] {strides = array<i32>} : memref<8192xf32, #tpu.memory_space<vmem>>, vector<16xf32>,
          %get3A_221 = arith.index_cast %mul3A_218 : i32 to index
          %get3A_222 = tpu.vector_load %arg6[%get3A_221] {strides = array<i32>} : memref<8192xf32, #tpu.memory_space<vmem>>, vector<16xf32>,
          %sub3A_223 = vector.broadcast %mul3A_52 : f32 to vector<16xf32>
          %sub3A_224 = arith.subf %sub3A_223, %get3A_220 : vector<16xf32>
          %sub3A_225 = vector.broadcast %mul3A_52 : f32 to vector<16xf32>
          %sub3A_226 = arith.subf %get3A_222, %sub3A_225 : vector<16xf32>
          %min3A_227 = arith.minimumf %sub3A_224, %sub3A_226 : vector<16xf32>
          %max3A_228 = arith.constant 0.000000e+00 : f32
          %max3A_229 = vector.broadcast %max3A_228 : f32 to vector<16xf32>
          %max3A_230 = arith.maximumf %min3A_227, %max3A_229 : vector<16xf32>
          %swap3A_231 = arith.index_cast %mul3A_218 : i32 to index
          %swap3A_232 = tpu.vector_load %arg7[%swap3A_231] {strides = array<i32>} : memref<8192xf32, #tpu.memory_space<vmem>>, vector<16xf32>,
          tpu.vector_store %arg7[%swap3A_231], %max3A_230 {strides = array<i32>} : memref<8192xf32, #tpu.memory_space<vmem>>, vector<16xf32>,
          %max3A_233 = arith.maximumf %scan3A_191, %max3A_230 : vector<16xf32>
          %mul3A_234 = arith.constant 4 : i32
          %mul3A_235 = arith.muli %scan3A_189, %mul3A_234 : i32
          %add3A_236 = arith.constant 2 : i32
          %add3A_237 = arith.addi %mul3A_235, %add3A_236 : i32
          %mul3A_238 = arith.constant 16 : i32
          %mul3A_239 = arith.muli %add3A_237, %mul3A_238 : i32
          %get3A_240 = arith.index_cast %mul3A_239 : i32 to index
          %get3A_241 = tpu.vector_load %arg5[%get3A_240] {strides = array<i32>} : memref<8192xf32, #tpu.memory_space<vmem>>, vector<16xf32>,
          %get3A_242 = arith.index_cast %mul3A_239 : i32 to index
          %get3A_243 = tpu.vector_load %arg6[%get3A_242] {strides = array<i32>} : memref<8192xf32, #tpu.memory_space<vmem>>, vector<16xf32>,
          %sub3A_244 = vector.broadcast %mul3A_52 : f32 to vector<16xf32>
          %sub3A_245 = arith.subf %sub3A_244, %get3A_241 : vector<16xf32>
          %sub3A_246 = vector.broadcast %mul3A_52 : f32 to vector<16xf32>
          %sub3A_247 = arith.subf %get3A_243, %sub3A_246 : vector<16xf32>
          %min3A_248 = arith.minimumf %sub3A_245, %sub3A_247 : vector<16xf32>
          %max3A_249 = arith.constant 0.000000e+00 : f32
          %max3A_250 = vector.broadcast %max3A_249 : f32 to vector<16xf32>
          %max3A_251 = arith.maximumf %min3A_248, %max3A_250 : vector<16xf32>
          %swap3A_252 = arith.index_cast %mul3A_239 : i32 to index
          %swap3A_253 = tpu.vector_load %arg7[%swap3A_252] {strides = array<i32>} : memref<8192xf32, #tpu.memory_space<vmem>>, vector<16xf32>,
          tpu.vector_store %arg7[%swap3A_252], %max3A_251 {strides = array<i32>} : memref<8192xf32, #tpu.memory_space<vmem>>, vector<16xf32>,
          %max3A_254 = arith.maximumf %scan3A_192, %max3A_251 : vector<16xf32>
          %mul3A_255 = arith.constant 4 : i32
          %mul3A_256 = arith.muli %scan3A_189, %mul3A_255 : i32
          %add3A_257 = arith.constant 3 : i32
          %add3A_258 = arith.addi %mul3A_256, %add3A_257 : i32
          %mul3A_259 = arith.constant 16 : i32
          %mul3A_260 = arith.muli %add3A_258, %mul3A_259 : i32
          %get3A_261 = arith.index_cast %mul3A_260 : i32 to index
          %get3A_262 = tpu.vector_load %arg5[%get3A_261] {strides = array<i32>} : memref<8192xf32, #tpu.memory_space<vmem>>, vector<16xf32>,
          %get3A_263 = arith.index_cast %mul3A_260 : i32 to index
          %get3A_264 = tpu.vector_load %arg6[%get3A_263] {strides = array<i32>} : memref<8192xf32, #tpu.memory_space<vmem>>, vector<16xf32>,
          %sub3A_265 = vector.broadcast %mul3A_52 : f32 to vector<16xf32>
          %sub3A_266 = arith.subf %sub3A_265, %get3A_262 : vector<16xf32>
          %sub3A_267 = vector.broadcast %mul3A_52 : f32 to vector<16xf32>
          %sub3A_268 = arith.subf %get3A_264, %sub3A_267 : vector<16xf32>
          %min3A_269 = arith.minimumf %sub3A_266, %sub3A_268 : vector<16xf32>
          %max3A_270 = arith.constant 0.000000e+00 : f32
          %max3A_271 = vector.broadcast %max3A_270 : f32 to vector<16xf32>
          %max3A_272 = arith.maximumf %min3A_269, %max3A_271 : vector<16xf32>
          %swap3A_273 = arith.index_cast %mul3A_260 : i32 to index
          %swap3A_274 = tpu.vector_load %arg7[%swap3A_273] {strides = array<i32>} : memref<8192xf32, #tpu.memory_space<vmem>>, vector<16xf32>,
          tpu.vector_store %arg7[%swap3A_273], %max3A_272 {strides = array<i32>} : memref<8192xf32, #tpu.memory_space<vmem>>, vector<16xf32>,
          %max3A_275 = arith.maximumf %scan3A_193, %max3A_272 : vector<16xf32>
          scf.yield %max3A_212, %max3A_233, %max3A_254, %max3A_275 : vector<16xf32>, vector<16xf32>, vector<16xf32>, vector<16xf32>
        }
        %scan3A_60 = arith.constant 128 : i32
        %broadcast_in_dim3A_61 = arith.constant 0 : i32
        %broadcast_in_dim3A_62 = vector.broadcast %broadcast_in_dim3A_61 : i32 to vector<16xi32>
        %broadcast_in_dim3A_63 = arith.constant 1056964608 : i32
        %broadcast_in_dim3A_64 = vector.broadcast %broadcast_in_dim3A_63 : i32 to vector<16xi32>
        %scan3A_65 = arith.constant 0 : i32
        %scan3A_66 = arith.constant 31 : i32
        %scan3A_67 = arith.addi %scan3A_65, %scan3A_66 : i32
        %scan3A_68 = arith.constant 1 : i32
        %scan3A_69:2 = scf.for %scan3A_189 = %scan3A_65 to %scan3A_67 step %scan3A_68 iter_args(%scan3A_190 = %broadcast_in_dim3A_62, %scan3A_191 = %broadcast_in_dim3A_64) -> (vector<16xi32>, vector<16xi32>)  : i32 {
          %add3A_192 = arith.addi %scan3A_190, %scan3A_191 : vector<16xi32>
          %jit3A_193 = arith.constant 2 : i32
          %div3A_194 = vector.broadcast %jit3A_193 : i32 to vector<16xi32>
          %div3A_195 = arith.divsi %add3A_192, %div3A_194 : vector<16xi32>
          %sign3A_196 = arith.constant 0 : i32
          %sign3A_197 = vector.broadcast %sign3A_196 : i32 to vector<16xi32>
          %sign3A_198 = arith.cmpi sgt, %add3A_192, %sign3A_197 : vector<16xi32>
          %sign3A_199 = arith.extui %sign3A_198 : vector<16xi1> to vector<16xi32>
          %sign3A_200 = arith.constant 0 : i32
          %sign3A_201 = vector.broadcast %sign3A_200 : i32 to vector<16xi32>
          %sign3A_202 = arith.cmpi slt, %add3A_192, %sign3A_201 : vector<16xi32>
          %sign3A_203 = arith.extui %sign3A_202 : vector<16xi1> to vector<16xi32>
          %sign3A_204 = arith.subi %sign3A_199, %sign3A_203 : vector<16xi32>
          %sign3A_205 = arith.constant 0 : i32
          %sign3A_206 = arith.cmpi sgt, %jit3A_193, %sign3A_205 : i32
          %sign3A_207 = arith.extui %sign3A_206 : i1 to i32
          %sign3A_208 = arith.constant 0 : i32
          %sign3A_209 = arith.cmpi slt, %jit3A_193, %sign3A_208 : i32
          %sign3A_210 = arith.extui %sign3A_209 : i1 to i32
          %sign3A_211 = arith.subi %sign3A_207, %sign3A_210 : i32
          %ne3A_212 = vector.broadcast %sign3A_211 : i32 to vector<16xi32>
          %ne3A_213 = arith.cmpi ne, %sign3A_204, %ne3A_212 : vector<16xi32>
          %rem3A_214 = vector.broadcast %jit3A_193 : i32 to vector<16xi32>
          %rem3A_215 = arith.remsi %add3A_192, %rem3A_214 : vector<16xi32>
          %ne3A_216 = arith.constant 0 : i32
          %ne3A_217 = vector.broadcast %ne3A_216 : i32 to vector<16xi32>
          %ne3A_218 = arith.cmpi ne, %rem3A_215, %ne3A_217 : vector<16xi32>
          %and3A_219 = arith.andi %ne3A_213, %ne3A_218 : vector<16xi1>
          %sub3A_220 = arith.constant 1 : i32
          %sub3A_221 = vector.broadcast %sub3A_220 : i32 to vector<16xi32>
          %sub3A_222 = arith.subi %div3A_195, %sub3A_221 : vector<16xi32>
          %select_n3A_223 = arith.select %and3A_219, %sub3A_222, %div3A_195 : vector<16xi1>, vector<16xi32>
          %bitcast_convert_type3A_224 = tpu.bitcast %select_n3A_223 : vector<16xi32> -> vector<16xf32>
          %gt3A = arith.cmpf ogt, %scan3A_59#0, %bitcast_convert_type3A_224 : vector<16xf32>
          %all_reduce_population_count3A = tpu.all_reduce %gt3A {dim = 0 : i64, kind = #tpu.reduction_kind<sum>} : vector<16xi1> -> vector<16xi32>
          %gt3A_225 = arith.cmpf ogt, %scan3A_59#1, %bitcast_convert_type3A_224 : vector<16xf32>
          %all_reduce_population_count3A_226 = tpu.all_reduce %gt3A_225 {dim = 0 : i64, kind = #tpu.reduction_kind<sum>} : vector<16xi1> -> vector<16xi32>
          %add3A_227 = arith.addi %all_reduce_population_count3A, %all_reduce_population_count3A_226 : vector<16xi32>
          %gt3A_228 = arith.cmpf ogt, %scan3A_59#2, %bitcast_convert_type3A_224 : vector<16xf32>
          %all_reduce_population_count3A_229 = tpu.all_reduce %gt3A_228 {dim = 0 : i64, kind = #tpu.reduction_kind<sum>} : vector<16xi1> -> vector<16xi32>
          %add3A_230 = arith.addi %add3A_227, %all_reduce_population_count3A_229 : vector<16xi32>
          %gt3A_231 = arith.cmpf ogt, %scan3A_59#3, %bitcast_convert_type3A_224 : vector<16xf32>
          %all_reduce_population_count3A_232 = tpu.all_reduce %gt3A_231 {dim = 0 : i64, kind = #tpu.reduction_kind<sum>} : vector<16xi1> -> vector<16xi32>
          %add3A_233 = arith.addi %add3A_230, %all_reduce_population_count3A_232 : vector<16xi32>
          %ge3A = arith.constant 32 : i32
          %ge3A_234 = vector.broadcast %ge3A : i32 to vector<16xi32>
          %ge3A_235 = arith.cmpi sge, %add3A_233, %ge3A_234 : vector<16xi32>
          %select_n3A_236 = arith.select %ge3A_235, %select_n3A_223, %scan3A_190 : vector<16xi1>, vector<16xi32>
          %select_n3A_237 = arith.select %ge3A_235, %scan3A_191, %select_n3A_223 : vector<16xi1>, vector<16xi32>
          scf.yield %select_n3A_236, %select_n3A_237 : vector<16xi32>, vector<16xi32>
        }
        %scan3A_70 = arith.constant 31 : i32
        %bitcast_convert_type3A = tpu.bitcast %scan3A_69#1 : vector<16xi32> -> vector<16xf32>
        %scan3A_71 = arith.constant 0 : i32
        %scan3A_72 = arith.constant 512 : i32
        %scan3A_73 = arith.addi %scan3A_71, %scan3A_72 : i32
        %scan3A_74 = arith.constant 1 : i32
        %scan3A_75 = scf.for %scan3A_189 = %scan3A_71 to %scan3A_73 step %scan3A_74 iter_args(%scan3A_190 = %iota3A) -> (vector<16xi32>)  : i32 {
          %mul3A_191 = arith.constant 16 : i32
          %mul3A_192 = arith.muli %scan3A_189, %mul3A_191 : i32
          %get3A = arith.index_cast %mul3A_192 : i32 to index
          %get3A_193 = tpu.vector_load %arg7[%get3A] {strides = array<i32>} : memref<8192xf32, #tpu.memory_space<vmem>>, vector<16xf32>,
          %gt3A = arith.cmpf ogt, %get3A_193, %bitcast_convert_type3A : vector<16xf32>
          tpu.vector_store_idx %arg8[%scan3A_190], %get3A_193 masked %gt3A : memref<8192xf32, #tpu.memory_space<vmem>>[vector<16xi32>], vector<16xf32>, vector<16xi1>
          %convert_element_type3A_194 = arith.extui %gt3A : vector<16xi1> to vector<16xi32>
          %mul3A_195 = arith.constant 16 : i32
          %mul3A_196 = vector.broadcast %mul3A_195 : i32 to vector<16xi32>
          %mul3A_197 = arith.muli %convert_element_type3A_194, %mul3A_196 : vector<16xi32>
          %add3A_198 = arith.addi %scan3A_190, %mul3A_197 : vector<16xi32>
          scf.yield %add3A_198 : vector<16xi32>
        }
        %scan3A_76 = arith.constant 512 : i32
        %sub3A = arith.subi %scan3A_75, %iota3A : vector<16xi32>
        %jit3A = arith.constant 16 : i32
        %div3A = vector.broadcast %jit3A : i32 to vector<16xi32>
        %div3A_77 = arith.divsi %sub3A, %div3A : vector<16xi32>
        %sign3A = arith.constant 0 : i32
        %sign3A_78 = vector.broadcast %sign3A : i32 to vector<16xi32>
        %sign3A_79 = arith.cmpi sgt, %sub3A, %sign3A_78 : vector<16xi32>
        %sign3A_80 = arith.extui %sign3A_79 : vector<16xi1> to vector<16xi32>
        %sign3A_81 = arith.constant 0 : i32
        %sign3A_82 = vector.broadcast %sign3A_81 : i32 to vector<16xi32>
        %sign3A_83 = arith.cmpi slt, %sub3A, %sign3A_82 : vector<16xi32>
        %sign3A_84 = arith.extui %sign3A_83 : vector<16xi1> to vector<16xi32>
        %sign3A_85 = arith.subi %sign3A_80, %sign3A_84 : vector<16xi32>
        %sign3A_86 = arith.constant 0 : i32
        %sign3A_87 = arith.cmpi sgt, %jit3A, %sign3A_86 : i32
        %sign3A_88 = arith.extui %sign3A_87 : i1 to i32
        %sign3A_89 = arith.constant 0 : i32
        %sign3A_90 = arith.cmpi slt, %jit3A, %sign3A_89 : i32
        %sign3A_91 = arith.extui %sign3A_90 : i1 to i32
        %sign3A_92 = arith.subi %sign3A_88, %sign3A_91 : i32
        %ne3A = vector.broadcast %sign3A_92 : i32 to vector<16xi32>
        %ne3A_93 = arith.cmpi ne, %sign3A_85, %ne3A : vector<16xi32>
        %rem3A = vector.broadcast %jit3A : i32 to vector<16xi32>
        %rem3A_94 = arith.remsi %sub3A, %rem3A : vector<16xi32>
        %ne3A_95 = arith.constant 0 : i32
        %ne3A_96 = vector.broadcast %ne3A_95 : i32 to vector<16xi32>
        %ne3A_97 = arith.cmpi ne, %rem3A_94, %ne3A_96 : vector<16xi32>
        %and3A = arith.andi %ne3A_93, %ne3A_97 : vector<16xi1>
        %sub3A_98 = arith.constant 1 : i32
        %sub3A_99 = vector.broadcast %sub3A_98 : i32 to vector<16xi32>
        %sub3A_100 = arith.subi %div3A_77, %sub3A_99 : vector<16xi32>
        %select_n3A = arith.select %and3A, %sub3A_100, %div3A_77 : vector<16xi1>, vector<16xi32>
        %convert_element_type3A_101 = arith.sitofp %select_n3A : vector<16xi32> to vector<16xf32>
        %iota3A_102 = tpu.iota {dimensions = array<i32: 0>} : vector<16xi32>
        %swap3A_103 = arith.constant 0 : index
        %swap3A_104 = tpu.vector_load %arg9[%swap3A_103] {strides = array<i32>} : memref<16xf32, #tpu.memory_space<vmem>>, vector<16xf32>,
        tpu.vector_store %arg9[%swap3A_103], %convert_element_type3A_101 {strides = array<i32>} : memref<16xf32, #tpu.memory_space<vmem>>, vector<16xf32>,
        %xor3A = arith.constant 8 : i32
        %xor3A_105 = vector.broadcast %xor3A : i32 to vector<16xi32>
        %xor3A_106 = arith.xori %iota3A_102, %xor3A_105 : vector<16xi32>
        %gather3A = tpu.vector_load_idx %arg9[%xor3A_106] : memref<16xf32, #tpu.memory_space<vmem>>[vector<16xi32>], vector<16xf32>,
        %max3A = arith.maximumf %convert_element_type3A_101, %gather3A : vector<16xf32>
        %swap3A_107 = arith.constant 0 : index
        %swap3A_108 = tpu.vector_load %arg9[%swap3A_107] {strides = array<i32>} : memref<16xf32, #tpu.memory_space<vmem>>, vector<16xf32>,
        tpu.vector_store %arg9[%swap3A_107], %max3A {strides = array<i32>} : memref<16xf32, #tpu.memory_space<vmem>>, vector<16xf32>,
        %xor3A_109 = arith.constant 4 : i32
        %xor3A_110 = vector.broadcast %xor3A_109 : i32 to vector<16xi32>
        %xor3A_111 = arith.xori %iota3A_102, %xor3A_110 : vector<16xi32>
        %gather3A_112 = tpu.vector_load_idx %arg9[%xor3A_111] : memref<16xf32, #tpu.memory_space<vmem>>[vector<16xi32>], vector<16xf32>,
        %max3A_113 = arith.maximumf %max3A, %gather3A_112 : vector<16xf32>
        %swap3A_114 = arith.constant 0 : index
        %swap3A_115 = tpu.vector_load %arg9[%swap3A_114] {strides = array<i32>} : memref<16xf32, #tpu.memory_space<vmem>>, vector<16xf32>,
        tpu.vector_store %arg9[%swap3A_114], %max3A_113 {strides = array<i32>} : memref<16xf32, #tpu.memory_space<vmem>>, vector<16xf32>,
        %xor3A_116 = arith.constant 2 : i32
        %xor3A_117 = vector.broadcast %xor3A_116 : i32 to vector<16xi32>
        %xor3A_118 = arith.xori %iota3A_102, %xor3A_117 : vector<16xi32>
        %gather3A_119 = tpu.vector_load_idx %arg9[%xor3A_118] : memref<16xf32, #tpu.memory_space<vmem>>[vector<16xi32>], vector<16xf32>,
        %max3A_120 = arith.maximumf %max3A_113, %gather3A_119 : vector<16xf32>
        %swap3A_121 = arith.constant 0 : index
        %swap3A_122 = tpu.vector_load %arg9[%swap3A_121] {strides = array<i32>} : memref<16xf32, #tpu.memory_space<vmem>>, vector<16xf32>,
        tpu.vector_store %arg9[%swap3A_121], %max3A_120 {strides = array<i32>} : memref<16xf32, #tpu.memory_space<vmem>>, vector<16xf32>,
        %xor3A_123 = arith.constant 1 : i32
        %xor3A_124 = vector.broadcast %xor3A_123 : i32 to vector<16xi32>
        %xor3A_125 = arith.xori %iota3A_102, %xor3A_124 : vector<16xi32>
        %gather3A_126 = tpu.vector_load_idx %arg9[%xor3A_125] : memref<16xf32, #tpu.memory_space<vmem>>[vector<16xi32>], vector<16xf32>,
        %max3A_127 = arith.maximumf %max3A_120, %gather3A_126 : vector<16xf32>
        %slice3A = vector.extract_strided_slice %max3A_127 {offsets = [0], sizes = [1], strides = [1]} : vector<16xf32> to vector<1xf32>
        %squeeze3A = vector.extract %slice3A[0] : f32 from vector<1xf32>
        %convert_element_type3A_128 = arith.fptosi %squeeze3A : f32 to i32
        %broadcast_in_dim3A_129 = arith.constant 1056964608 : i32
        %broadcast_in_dim3A_130 = vector.broadcast %broadcast_in_dim3A_129 : i32 to vector<16xi32>
        %scan3A_131 = arith.constant 0 : i32
        %scan3A_132 = arith.constant 31 : i32
        %scan3A_133 = arith.addi %scan3A_131, %scan3A_132 : i32
        %scan3A_134 = arith.constant 1 : i32
        %scan3A_135:2 = scf.for %scan3A_189 = %scan3A_131 to %scan3A_133 step %scan3A_134 iter_args(%scan3A_190 = %scan3A_69#1, %scan3A_191 = %broadcast_in_dim3A_130) -> (vector<16xi32>, vector<16xi32>)  : i32 {
          %add3A_192 = arith.addi %scan3A_190, %scan3A_191 : vector<16xi32>
          %jit3A_193 = arith.constant 2 : i32
          %div3A_194 = vector.broadcast %jit3A_193 : i32 to vector<16xi32>
          %div3A_195 = arith.divsi %add3A_192, %div3A_194 : vector<16xi32>
          %sign3A_196 = arith.constant 0 : i32
          %sign3A_197 = vector.broadcast %sign3A_196 : i32 to vector<16xi32>
          %sign3A_198 = arith.cmpi sgt, %add3A_192, %sign3A_197 : vector<16xi32>
          %sign3A_199 = arith.extui %sign3A_198 : vector<16xi1> to vector<16xi32>
          %sign3A_200 = arith.constant 0 : i32
          %sign3A_201 = vector.broadcast %sign3A_200 : i32 to vector<16xi32>
          %sign3A_202 = arith.cmpi slt, %add3A_192, %sign3A_201 : vector<16xi32>
          %sign3A_203 = arith.extui %sign3A_202 : vector<16xi1> to vector<16xi32>
          %sign3A_204 = arith.subi %sign3A_199, %sign3A_203 : vector<16xi32>
          %sign3A_205 = arith.constant 0 : i32
          %sign3A_206 = arith.cmpi sgt, %jit3A_193, %sign3A_205 : i32
          %sign3A_207 = arith.extui %sign3A_206 : i1 to i32
          %sign3A_208 = arith.constant 0 : i32
          %sign3A_209 = arith.cmpi slt, %jit3A_193, %sign3A_208 : i32
          %sign3A_210 = arith.extui %sign3A_209 : i1 to i32
          %sign3A_211 = arith.subi %sign3A_207, %sign3A_210 : i32
          %ne3A_212 = vector.broadcast %sign3A_211 : i32 to vector<16xi32>
          %ne3A_213 = arith.cmpi ne, %sign3A_204, %ne3A_212 : vector<16xi32>
          %rem3A_214 = vector.broadcast %jit3A_193 : i32 to vector<16xi32>
          %rem3A_215 = arith.remsi %add3A_192, %rem3A_214 : vector<16xi32>
          %ne3A_216 = arith.constant 0 : i32
          %ne3A_217 = vector.broadcast %ne3A_216 : i32 to vector<16xi32>
          %ne3A_218 = arith.cmpi ne, %rem3A_215, %ne3A_217 : vector<16xi32>
          %and3A_219 = arith.andi %ne3A_213, %ne3A_218 : vector<16xi1>
          %sub3A_220 = arith.constant 1 : i32
          %sub3A_221 = vector.broadcast %sub3A_220 : i32 to vector<16xi32>
          %sub3A_222 = arith.subi %div3A_195, %sub3A_221 : vector<16xi32>
          %select_n3A_223 = arith.select %and3A_219, %sub3A_222, %div3A_195 : vector<16xi1>, vector<16xi32>
          %bitcast_convert_type3A_224 = tpu.bitcast %select_n3A_223 : vector<16xi32> -> vector<16xf32>
          %add3A_225 = arith.addi %scan3A_190, %scan3A_191 : vector<16xi32>
          %jit3A_226 = arith.constant 2 : i32
          %div3A_227 = vector.broadcast %jit3A_226 : i32 to vector<16xi32>
          %div3A_228 = arith.divsi %add3A_225, %div3A_227 : vector<16xi32>
          %sign3A_229 = arith.constant 0 : i32
          %sign3A_230 = vector.broadcast %sign3A_229 : i32 to vector<16xi32>
          %sign3A_231 = arith.cmpi sgt, %add3A_225, %sign3A_230 : vector<16xi32>
          %sign3A_232 = arith.extui %sign3A_231 : vector<16xi1> to vector<16xi32>
          %sign3A_233 = arith.constant 0 : i32
          %sign3A_234 = vector.broadcast %sign3A_233 : i32 to vector<16xi32>
          %sign3A_235 = arith.cmpi slt, %add3A_225, %sign3A_234 : vector<16xi32>
          %sign3A_236 = arith.extui %sign3A_235 : vector<16xi1> to vector<16xi32>
          %sign3A_237 = arith.subi %sign3A_232, %sign3A_236 : vector<16xi32>
          %sign3A_238 = arith.constant 0 : i32
          %sign3A_239 = arith.cmpi sgt, %jit3A_226, %sign3A_238 : i32
          %sign3A_240 = arith.extui %sign3A_239 : i1 to i32
          %sign3A_241 = arith.constant 0 : i32
          %sign3A_242 = arith.cmpi slt, %jit3A_226, %sign3A_241 : i32
          %sign3A_243 = arith.extui %sign3A_242 : i1 to i32
          %sign3A_244 = arith.subi %sign3A_240, %sign3A_243 : i32
          %ne3A_245 = vector.broadcast %sign3A_244 : i32 to vector<16xi32>
          %ne3A_246 = arith.cmpi ne, %sign3A_237, %ne3A_245 : vector<16xi32>
          %rem3A_247 = vector.broadcast %jit3A_226 : i32 to vector<16xi32>
          %rem3A_248 = arith.remsi %add3A_225, %rem3A_247 : vector<16xi32>
          %ne3A_249 = arith.constant 0 : i32
          %ne3A_250 = vector.broadcast %ne3A_249 : i32 to vector<16xi32>
          %ne3A_251 = arith.cmpi ne, %rem3A_248, %ne3A_250 : vector<16xi32>
          %and3A_252 = arith.andi %ne3A_246, %ne3A_251 : vector<16xi1>
          %sub3A_253 = arith.constant 1 : i32
          %sub3A_254 = vector.broadcast %sub3A_253 : i32 to vector<16xi32>
          %sub3A_255 = arith.subi %div3A_228, %sub3A_254 : vector<16xi32>
          %select_n3A_256 = arith.select %and3A_252, %sub3A_255, %div3A_228 : vector<16xi1>, vector<16xi32>
          %broadcast_in_dim3A_257 = arith.constant 0 : i32
          %broadcast_in_dim3A_258 = vector.broadcast %broadcast_in_dim3A_257 : i32 to vector<16xi32>
          %while3A_259 = arith.constant 0 : i32
          %while3A_260 = arith.subi %convert_element_type3A_128, %while3A_259 : i32
          %while3A_261 = arith.addi %while3A_259, %while3A_260 : i32
          %while3A_262 = arith.constant 1 : i32
          %while3A_263 = arith.divsi %while3A_260, %while3A_262 : i32
          %while3A_264 = arith.muli %while3A_263, %while3A_262 : i32
          %while3A_265 = arith.addi %while3A_259, %while3A_264 : i32
          %while3A_266 = arith.constant 1 : i32
          %while3A_267 = scf.for %while3A_274 = %while3A_259 to %while3A_265 step %while3A_266 iter_args(%while3A_275 = %broadcast_in_dim3A_258) -> (vector<16xi32>)  : i32 {
            %mul3A_276 = arith.constant 16 : i32
            %mul3A_277 = arith.muli %while3A_274, %mul3A_276 : i32
            %get3A = arith.index_cast %mul3A_277 : i32 to index
            %get3A_278 = tpu.vector_load %arg8[%get3A] {strides = array<i32>} : memref<8192xf32, #tpu.memory_space<vmem>>, vector<16xf32>,
            %gt3A = arith.cmpf ogt, %get3A_278, %bitcast_convert_type3A_224 : vector<16xf32>
            %lt3A = vector.broadcast %while3A_274 : i32 to vector<16xi32>
            %lt3A_279 = arith.cmpi slt, %lt3A, %select_n3A : vector<16xi32>
            %and3A_280 = arith.andi %gt3A, %lt3A_279 : vector<16xi1>
            %all_reduce_population_count3A = tpu.all_reduce %and3A_280 {dim = 0 : i64, kind = #tpu.reduction_kind<sum>} : vector<16xi1> -> vector<16xi32>
            %add3A_281 = arith.addi %while3A_275, %all_reduce_population_count3A : vector<16xi32>
            scf.yield %add3A_281 : vector<16xi32>
          }
          %while3A_268 = arith.constant 1 : i32
          %while3A_269 = scf.for %while3A_274 = %while3A_265 to %while3A_261 step %while3A_268 iter_args(%while3A_275 = %while3A_267) -> (vector<16xi32>)  : i32 {
            %mul3A_276 = arith.constant 16 : i32
            %mul3A_277 = arith.muli %while3A_274, %mul3A_276 : i32
            %get3A = arith.index_cast %mul3A_277 : i32 to index
            %get3A_278 = tpu.vector_load %arg8[%get3A] {strides = array<i32>} : memref<8192xf32, #tpu.memory_space<vmem>>, vector<16xf32>,
            %gt3A = arith.cmpf ogt, %get3A_278, %bitcast_convert_type3A_224 : vector<16xf32>
            %lt3A = vector.broadcast %while3A_274 : i32 to vector<16xi32>
            %lt3A_279 = arith.cmpi slt, %lt3A, %select_n3A : vector<16xi32>
            %and3A_280 = arith.andi %gt3A, %lt3A_279 : vector<16xi1>
            %all_reduce_population_count3A = tpu.all_reduce %and3A_280 {dim = 0 : i64, kind = #tpu.reduction_kind<sum>} : vector<16xi1> -> vector<16xi32>
            %add3A_281 = arith.addi %while3A_275, %all_reduce_population_count3A : vector<16xi32>
            scf.yield %add3A_281 : vector<16xi32>
          }
          %ge3A = arith.constant 32 : i32
          %ge3A_270 = vector.broadcast %ge3A : i32 to vector<16xi32>
          %ge3A_271 = arith.cmpi sge, %while3A_269, %ge3A_270 : vector<16xi32>
          %select_n3A_272 = arith.select %ge3A_271, %select_n3A_256, %scan3A_190 : vector<16xi1>, vector<16xi32>
          %select_n3A_273 = arith.select %ge3A_271, %scan3A_191, %select_n3A_256 : vector<16xi1>, vector<16xi32>
          scf.yield %select_n3A_272, %select_n3A_273 : vector<16xi32>, vector<16xi32>
        }
        %scan3A_136 = arith.constant 31 : i32
        %bitcast_convert_type3A_137 = tpu.bitcast %scan3A_135#1 : vector<16xi32> -> vector<16xf32>
        %broadcast_in_dim3A_138 = arith.constant 0.000000e+00 : f32
        %broadcast_in_dim3A_139 = vector.broadcast %broadcast_in_dim3A_138 : f32 to vector<16xf32>
        %broadcast_in_dim3A_140 = arith.constant 0 : i32
        %broadcast_in_dim3A_141 = vector.broadcast %broadcast_in_dim3A_140 : i32 to vector<16xi32>
        %while3A = arith.constant 0 : i32
        %while3A_142 = arith.subi %convert_element_type3A_128, %while3A : i32
        %while3A_143 = arith.addi %while3A, %while3A_142 : i32
        %while3A_144 = arith.constant 1 : i32
        %while3A_145 = arith.divsi %while3A_142, %while3A_144 : i32
        %while3A_146 = arith.muli %while3A_145, %while3A_144 : i32
        %while3A_147 = arith.addi %while3A, %while3A_146 : i32
        %while3A_148 = arith.constant 1 : i32
        %while3A_149:2 = scf.for %while3A_189 = %while3A to %while3A_147 step %while3A_148 iter_args(%while3A_190 = %broadcast_in_dim3A_139, %while3A_191 = %broadcast_in_dim3A_141) -> (vector<16xf32>, vector<16xi32>)  : i32 {
          %mul3A_192 = arith.constant 16 : i32
          %mul3A_193 = arith.muli %while3A_189, %mul3A_192 : i32
          %get3A = arith.index_cast %mul3A_193 : i32 to index
          %get3A_194 = tpu.vector_load %arg8[%get3A] {strides = array<i32>} : memref<8192xf32, #tpu.memory_space<vmem>>, vector<16xf32>,
          %gt3A = arith.cmpf ogt, %get3A_194, %bitcast_convert_type3A_137 : vector<16xf32>
          %lt3A = vector.broadcast %while3A_189 : i32 to vector<16xi32>
          %lt3A_195 = arith.cmpi slt, %lt3A, %select_n3A : vector<16xi32>
          %and3A_196 = arith.andi %gt3A, %lt3A_195 : vector<16xi1>
          %jit3A_197 = arith.constant 0.000000e+00 : f32
          %broadcast_in_dim3A_198 = vector.broadcast %jit3A_197 : f32 to vector<16xf32>
          %select_n3A_199 = arith.select %and3A_196, %get3A_194, %broadcast_in_dim3A_198 : vector<16xi1>, vector<16xf32>
          %add3A_200 = arith.addf %while3A_190, %select_n3A_199 : vector<16xf32>
          %all_reduce_population_count3A = tpu.all_reduce %and3A_196 {dim = 0 : i64, kind = #tpu.reduction_kind<sum>} : vector<16xi1> -> vector<16xi32>
          %add3A_201 = arith.addi %while3A_191, %all_reduce_population_count3A : vector<16xi32>
          scf.yield %add3A_200, %add3A_201 : vector<16xf32>, vector<16xi32>
        }
        %while3A_150 = arith.constant 1 : i32
        %while3A_151:2 = scf.for %while3A_189 = %while3A_147 to %while3A_143 step %while3A_150 iter_args(%while3A_190 = %while3A_149#0, %while3A_191 = %while3A_149#1) -> (vector<16xf32>, vector<16xi32>)  : i32 {
          %mul3A_192 = arith.constant 16 : i32
          %mul3A_193 = arith.muli %while3A_189, %mul3A_192 : i32
          %get3A = arith.index_cast %mul3A_193 : i32 to index
          %get3A_194 = tpu.vector_load %arg8[%get3A] {strides = array<i32>} : memref<8192xf32, #tpu.memory_space<vmem>>, vector<16xf32>,
          %gt3A = arith.cmpf ogt, %get3A_194, %bitcast_convert_type3A_137 : vector<16xf32>
          %lt3A = vector.broadcast %while3A_189 : i32 to vector<16xi32>
          %lt3A_195 = arith.cmpi slt, %lt3A, %select_n3A : vector<16xi32>
          %and3A_196 = arith.andi %gt3A, %lt3A_195 : vector<16xi1>
          %jit3A_197 = arith.constant 0.000000e+00 : f32
          %broadcast_in_dim3A_198 = vector.broadcast %jit3A_197 : f32 to vector<16xf32>
          %select_n3A_199 = arith.select %and3A_196, %get3A_194, %broadcast_in_dim3A_198 : vector<16xi1>, vector<16xf32>
          %add3A_200 = arith.addf %while3A_190, %select_n3A_199 : vector<16xf32>
          %all_reduce_population_count3A = tpu.all_reduce %and3A_196 {dim = 0 : i64, kind = #tpu.reduction_kind<sum>} : vector<16xi1> -> vector<16xi32>
          %add3A_201 = arith.addi %while3A_191, %all_reduce_population_count3A : vector<16xi32>
          scf.yield %add3A_200, %add3A_201 : vector<16xf32>, vector<16xi32>
        }
        %iota3A_152 = tpu.iota {dimensions = array<i32: 0>} : vector<16xi32>
        %swap3A_153 = arith.constant 0 : index
        %swap3A_154 = tpu.vector_load %arg9[%swap3A_153] {strides = array<i32>} : memref<16xf32, #tpu.memory_space<vmem>>, vector<16xf32>,
        tpu.vector_store %arg9[%swap3A_153], %while3A_151#0 {strides = array<i32>} : memref<16xf32, #tpu.memory_space<vmem>>, vector<16xf32>,
        %xor3A_155 = arith.constant 8 : i32
        %xor3A_156 = vector.broadcast %xor3A_155 : i32 to vector<16xi32>
        %xor3A_157 = arith.xori %iota3A_152, %xor3A_156 : vector<16xi32>
        %gather3A_158 = tpu.vector_load_idx %arg9[%xor3A_157] : memref<16xf32, #tpu.memory_space<vmem>>[vector<16xi32>], vector<16xf32>,
        %add3A_159 = arith.addf %while3A_151#0, %gather3A_158 : vector<16xf32>
        %swap3A_160 = arith.constant 0 : index
        %swap3A_161 = tpu.vector_load %arg9[%swap3A_160] {strides = array<i32>} : memref<16xf32, #tpu.memory_space<vmem>>, vector<16xf32>,
        tpu.vector_store %arg9[%swap3A_160], %add3A_159 {strides = array<i32>} : memref<16xf32, #tpu.memory_space<vmem>>, vector<16xf32>,
        %xor3A_162 = arith.constant 4 : i32
        %xor3A_163 = vector.broadcast %xor3A_162 : i32 to vector<16xi32>
        %xor3A_164 = arith.xori %iota3A_152, %xor3A_163 : vector<16xi32>
        %gather3A_165 = tpu.vector_load_idx %arg9[%xor3A_164] : memref<16xf32, #tpu.memory_space<vmem>>[vector<16xi32>], vector<16xf32>,
        %add3A_166 = arith.addf %add3A_159, %gather3A_165 : vector<16xf32>
        %swap3A_167 = arith.constant 0 : index
        %swap3A_168 = tpu.vector_load %arg9[%swap3A_167] {strides = array<i32>} : memref<16xf32, #tpu.memory_space<vmem>>, vector<16xf32>,
        tpu.vector_store %arg9[%swap3A_167], %add3A_166 {strides = array<i32>} : memref<16xf32, #tpu.memory_space<vmem>>, vector<16xf32>,
        %xor3A_169 = arith.constant 2 : i32
        %xor3A_170 = vector.broadcast %xor3A_169 : i32 to vector<16xi32>
        %xor3A_171 = arith.xori %iota3A_152, %xor3A_170 : vector<16xi32>
        %gather3A_172 = tpu.vector_load_idx %arg9[%xor3A_171] : memref<16xf32, #tpu.memory_space<vmem>>[vector<16xi32>], vector<16xf32>,
        %add3A_173 = arith.addf %add3A_166, %gather3A_172 : vector<16xf32>
        %swap3A_174 = arith.constant 0 : index
        %swap3A_175 = tpu.vector_load %arg9[%swap3A_174] {strides = array<i32>} : memref<16xf32, #tpu.memory_space<vmem>>, vector<16xf32>,
        tpu.vector_store %arg9[%swap3A_174], %add3A_173 {strides = array<i32>} : memref<16xf32, #tpu.memory_space<vmem>>, vector<16xf32>,
        %xor3A_176 = arith.constant 1 : i32
        %xor3A_177 = vector.broadcast %xor3A_176 : i32 to vector<16xi32>
        %xor3A_178 = arith.xori %iota3A_152, %xor3A_177 : vector<16xi32>
        %gather3A_179 = tpu.vector_load_idx %arg9[%xor3A_178] : memref<16xf32, #tpu.memory_space<vmem>>[vector<16xi32>], vector<16xf32>,
        %add3A_180 = arith.addf %add3A_173, %gather3A_179 : vector<16xf32>
        %sub3A_181 = arith.constant 32 : i32
        %sub3A_182 = vector.broadcast %sub3A_181 : i32 to vector<16xi32>
        %sub3A_183 = arith.subi %sub3A_182, %while3A_151#1 : vector<16xi32>
        %convert_element_type3A_184 = arith.sitofp %sub3A_183 : vector<16xi32> to vector<16xf32>
        %mul3A_185 = arith.mulf %convert_element_type3A_184, %bitcast_convert_type3A_137 : vector<16xf32>
        %add3A_186 = arith.addf %add3A_180, %mul3A_185 : vector<16xf32>
        %eq3A = vector.broadcast %scan3A_47 : i32 to vector<16xi32>
        %eq3A_187 = arith.cmpi eq, %iota3A, %eq3A : vector<16xi32>
        %select_n3A_188 = arith.select %eq3A_187, %add3A_186, %scan3A_48 : vector<16xi1>, vector<16xf32>
        scf.yield %select_n3A_188 : vector<16xf32>
      }
      %scan3A_40 = arith.constant 16 : i32
      %mul3A_41 = arith.constant 16 : i32
      %mul3A_42 = arith.muli %scan3A_32, %mul3A_41 : i32
      %add3A_43 = arith.constant 128 : i32
      %add3A_44 = arith.addi %add3A_43, %mul3A_42 : i32
      %swap3A = arith.index_cast %add3A_44 : i32 to index
      %swap3A_45 = tpu.vector_load %arg10[%swap3A] {strides = array<i32>} : memref<256xf32, #tpu.memory_space<vmem>>, vector<16xf32>,
      tpu.vector_store %arg10[%swap3A], %scan3A_39 {strides = array<i32>} : memref<256xf32, #tpu.memory_space<vmem>>, vector<16xf32>,
      %scan3A_46 = arith.constant 0 : i32
      scf.yield %scan3A_46 : i32
    }
    %scan3A_23 = arith.constant 8 : i32
    %mul3A_24 = arith.constant 2 : i32
    %mul3A_25 = arith.muli %add3A, %mul3A_24 : i32
    %add3A_26 = arith.constant 0 : i32
    %add3A_27 = arith.addi %mul3A_25, %add3A_26 : i32
    "tpu.region"() ({
      %run_scoped3A = tpu.sem_alloc : memref<!tpu.dma_semaphore, #tpu.memory_space<semaphore_mem>>
      %dma_start3A = arith.constant 0 : i32
      %dma_start3A_32 = tpu.memref_slice %arg10[%dma_start3A] : memref<256xf32, #tpu.memory_space<vmem>> -> memref<128xf32, #tpu.memory_space<vmem>>
      %dma_start3A_33 = arith.constant 0 : i32
      %dma_start3A_34 = tpu.memref_slice %arg4[%add3A_27, %dma_start3A_33] : memref<64x128xf32, #tpu.memory_space<hbm>> -> memref<1x128xf32, #tpu.memory_space<hbm>>
      %dma_start3A_35 = tpu.memref_squeeze %dma_start3A_34 : memref<1x128xf32, #tpu.memory_space<hbm>> -> memref<128xf32, #tpu.memory_space<hbm>>
      %dma_start3A_36 = arith.constant 0 : i32
      %dma_start3A_37 = tpu.memref_slice %arg4[%add3A_27, %dma_start3A_36] : memref<64x128xf32, #tpu.memory_space<hbm>> -> memref<1x128xf32, #tpu.memory_space<hbm>>
      %dma_start3A_38 = tpu.memref_squeeze %dma_start3A_37 : memref<1x128xf32, #tpu.memory_space<hbm>> -> memref<128xf32, #tpu.memory_space<hbm>>
      %dma_start3A_39 = arith.constant 0 : i32
      %dma_start3A_40 = tpu.memref_slice %arg10[%dma_start3A_39] : memref<256xf32, #tpu.memory_space<vmem>> -> memref<128xf32, #tpu.memory_space<vmem>>
      tpu.enqueue_dma source(%dma_start3A_40 : memref<128xf32, #tpu.memory_space<vmem>>) target(%dma_start3A_38 : memref<128xf32, #tpu.memory_space<hbm>>) target_semaphore(%run_scoped3A : memref<!tpu.dma_semaphore, #tpu.memory_space<semaphore_mem>>)
      %dma_wait3A = arith.constant 0 : i32
      %dma_wait3A_41 = tpu.memref_slice %arg10[%dma_wait3A] : memref<256xf32, #tpu.memory_space<vmem>> -> memref<128xf32, #tpu.memory_space<vmem>>
      %dma_wait3A_42 = arith.constant 0 : i32
      %dma_wait3A_43 = tpu.memref_slice %arg4[%add3A_27, %dma_wait3A_42] : memref<64x128xf32, #tpu.memory_space<hbm>> -> memref<1x128xf32, #tpu.memory_space<hbm>>
      %dma_wait3A_44 = tpu.memref_squeeze %dma_wait3A_43 : memref<1x128xf32, #tpu.memory_space<hbm>> -> memref<128xf32, #tpu.memory_space<hbm>>
      %dma_wait3A_45 = arith.constant 0 : i32
      %dma_wait3A_46 = tpu.memref_slice %arg4[%add3A_27, %dma_wait3A_45] : memref<64x128xf32, #tpu.memory_space<hbm>> -> memref<1x128xf32, #tpu.memory_space<hbm>>
      %dma_wait3A_47 = tpu.memref_squeeze %dma_wait3A_46 : memref<1x128xf32, #tpu.memory_space<hbm>> -> memref<128xf32, #tpu.memory_space<hbm>>
      %dma_wait3A_48 = arith.constant 0 : i32
      %dma_wait3A_49 = tpu.memref_slice %arg10[%dma_wait3A_48] : memref<256xf32, #tpu.memory_space<vmem>> -> memref<128xf32, #tpu.memory_space<vmem>>
      tpu.wait_dma2 semaphore(%run_scoped3A : memref<!tpu.dma_semaphore, #tpu.memory_space<semaphore_mem>>) src(%dma_wait3A_49 : memref<128xf32, #tpu.memory_space<vmem>>) dst(%dma_wait3A_47 : memref<128xf32, #tpu.memory_space<hbm>>)
      tpu.yield
    }) : () -> ()
    %mul3A_28 = arith.constant 2 : i32
    %mul3A_29 = arith.muli %add3A, %mul3A_28 : i32
    %add3A_30 = arith.constant 1 : i32
    %add3A_31 = arith.addi %mul3A_29, %add3A_30 : i32
    "tpu.region"() ({
      %run_scoped3A = tpu.sem_alloc : memref<!tpu.dma_semaphore, #tpu.memory_space<semaphore_mem>>
      %dma_start3A = arith.constant 128 : i32
      %dma_start3A_32 = tpu.memref_slice %arg10[%dma_start3A] : memref<256xf32, #tpu.memory_space<vmem>> -> memref<128xf32, #tpu.memory_space<vmem>>
      %dma_start3A_33 = arith.constant 0 : i32
      %dma_start3A_34 = tpu.memref_slice %arg4[%add3A_31, %dma_start3A_33] : memref<64x128xf32, #tpu.memory_space<hbm>> -> memref<1x128xf32, #tpu.memory_space<hbm>>
      %dma_start3A_35 = tpu.memref_squeeze %dma_start3A_34 : memref<1x128xf32, #tpu.memory_space<hbm>> -> memref<128xf32, #tpu.memory_space<hbm>>
      %dma_start3A_36 = arith.constant 0 : i32
      %dma_start3A_37 = tpu.memref_slice %arg4[%add3A_31, %dma_start3A_36] : memref<64x128xf32, #tpu.memory_space<hbm>> -> memref<1x128xf32, #tpu.memory_space<hbm>>
      %dma_start3A_38 = tpu.memref_squeeze %dma_start3A_37 : memref<1x128xf32, #tpu.memory_space<hbm>> -> memref<128xf32, #tpu.memory_space<hbm>>
      %dma_start3A_39 = arith.constant 128 : i32
      %dma_start3A_40 = tpu.memref_slice %arg10[%dma_start3A_39] : memref<256xf32, #tpu.memory_space<vmem>> -> memref<128xf32, #tpu.memory_space<vmem>>
      tpu.enqueue_dma source(%dma_start3A_40 : memref<128xf32, #tpu.memory_space<vmem>>) target(%dma_start3A_38 : memref<128xf32, #tpu.memory_space<hbm>>) target_semaphore(%run_scoped3A : memref<!tpu.dma_semaphore, #tpu.memory_space<semaphore_mem>>)
      %dma_wait3A = arith.constant 128 : i32
      %dma_wait3A_41 = tpu.memref_slice %arg10[%dma_wait3A] : memref<256xf32, #tpu.memory_space<vmem>> -> memref<128xf32, #tpu.memory_space<vmem>>
      %dma_wait3A_42 = arith.constant 0 : i32
      %dma_wait3A_43 = tpu.memref_slice %arg4[%add3A_31, %dma_wait3A_42] : memref<64x128xf32, #tpu.memory_space<hbm>> -> memref<1x128xf32, #tpu.memory_space<hbm>>
      %dma_wait3A_44 = tpu.memref_squeeze %dma_wait3A_43 : memref<1x128xf32, #tpu.memory_space<hbm>> -> memref<128xf32, #tpu.memory_space<hbm>>
      %dma_wait3A_45 = arith.constant 0 : i32
      %dma_wait3A_46 = tpu.memref_slice %arg4[%add3A_31, %dma_wait3A_45] : memref<64x128xf32, #tpu.memory_space<hbm>> -> memref<1x128xf32, #tpu.memory_space<hbm>>
      %dma_wait3A_47 = tpu.memref_squeeze %dma_wait3A_46 : memref<1x128xf32, #tpu.memory_space<hbm>> -> memref<128xf32, #tpu.memory_space<hbm>>
      %dma_wait3A_48 = arith.constant 128 : i32
      %dma_wait3A_49 = tpu.memref_slice %arg10[%dma_wait3A_48] : memref<256xf32, #tpu.memory_space<vmem>> -> memref<128xf32, #tpu.memory_space<vmem>>
      tpu.wait_dma2 semaphore(%run_scoped3A : memref<!tpu.dma_semaphore, #tpu.memory_space<semaphore_mem>>) src(%dma_wait3A_49 : memref<128xf32, #tpu.memory_space<vmem>>) dst(%dma_wait3A_47 : memref<128xf32, #tpu.memory_space<hbm>>)
      tpu.yield
    }) : () -> ()
    return
  }
}

module attributes {stable_mosaic.version = 14 : i64} {
  func.func @_affine_tc_body(%arg0: memref<64x128xf32, #tpu.memory_space<vmem>>, %arg1: memref<64x128xf32, #tpu.memory_space<vmem>>, %arg2: memref<1x64xf32, #tpu.memory_space<vmem>>, %arg3: memref<64x64xf32, #tpu.memory_space<vmem>>) attributes {dimension_semantics = [], scalar_prefetch = 0 : i64, scratch_operands = 0 : i64, tpu.core_type = #tpu.core_type<tc>} {
    %get3A = arith.constant 0 : index
    %get3A_0 = arith.constant 0 : index
    %get3A_1 = vector.load %arg0[%get3A, %get3A_0] : memref<64x128xf32, #tpu.memory_space<vmem>>, vector<64x128xf32>
    %mul3A = arith.constant 3.125000e-02 : f32
    %mul3A_2 = vector.broadcast %mul3A : f32 to vector<64x128xf32>
    %mul3A_3 = arith.mulf %get3A_1, %mul3A_2 : vector<64x128xf32>
    %get3A_4 = arith.constant 0 : index
    %get3A_5 = arith.constant 0 : index
    %get3A_6 = vector.load %arg1[%get3A_4, %get3A_5] : memref<64x128xf32, #tpu.memory_space<vmem>>, vector<64x128xf32>
    %dot_general3A = arith.constant dense<0.000000e+00> : vector<64x64xf32>
    %dot_general3A_7 = tpu.matmul %mul3A_3, %get3A_6, %dot_general3A {dimension_numbers = #tpu.dot_dimension_numbers<[1], [1], [0], [0], [0, 0, 1, 0], [], []>, transpose_lhs_hint = false} : vector<64x128xf32>, vector<64x128xf32>, vector<64x64xf32> -> vector<64x64xf32>
    %get3A_8 = arith.constant 0 : index
    %get3A_9 = arith.constant 0 : index
    %get3A_10 = vector.load %arg2[%get3A_8, %get3A_9] : memref<1x64xf32, #tpu.memory_space<vmem>>, vector<1x64xf32>
    %add3A = vector.broadcast %get3A_10 : vector<1x64xf32> to vector<64x64xf32>
    %add3A_11 = arith.addf %dot_general3A_7, %add3A : vector<64x64xf32>
    %swap3A = arith.constant 0 : index
    %swap3A_12 = arith.constant 0 : index
    %swap3A_13 = vector.load %arg3[%swap3A, %swap3A_12] : memref<64x64xf32, #tpu.memory_space<vmem>>, vector<64x64xf32>
    tpu.vector_store %arg3[%swap3A, %swap3A_12], %add3A_11 {strides = array<i32>} : memref<64x64xf32, #tpu.memory_space<vmem>>, vector<64x64xf32>,
    return
  }
}

</mosaic_0001>

<sc_bundles>
// kernel: kernel.4.cloned.1.call-start
scs
__scs_entry_jumppad:
0x0: {  	(pc) =	sbr.rel $0x88, $3  }
0x1: {  	(tag) =	ssettag $0x0;
	lr =	simm.s32 $0x1  }
0x2: {  	[smem:$0x3F9E] =	sst lr;
	_ =	strace $0xD0000000  }
0x3: {  	_ = 	snop  }
0x4: {  	_ = 	snop  }
0x5: {  	_ = 	snop  }
0x6: {  	_ = 	snop  }
0x7: {  	_ = 	snop  }
__scs_overlays_trampoline_lowered:
0x8: {  	[smem:$0x3FAD] =	sst s0  }
0x9: {  	[smem:$0x3FAE] =	sst s1  }
0xa: {  	[smem:$0x3FAF] =	sst s2  }
0xb: {  	[smem:$0x3FB0] =	sst s3  }
0xc: {  	[smem:$0x3FB1] =	sst s4  }
0xd: {  	[smem:$0x3FB2] =	sst s5  }
0xe: {  	[smem:$0x3FB3] =	sst s6  }
0xf: {  	[smem:$0x3FB4] =	sst s7  }
0x10: {  	[smem:$0x3FB5] =	sst s8  }
0x11: {  	[smem:$0x3FB6] =	sst s9;
	s0 =	simm.s32 @!p0 $0x0  }
0x12: {  	s1 =	sld [smem:$0x3F9C];
	s0 =	simm.s32 @p0 $0x1  }
0x13: {  	[smem:$0x3FB7] =	sst s0;
	s0 =	simm.s32 @!p1 $0x0  }
0x14: {  	s2 =	sld [smem:$0x3F9B];
	s0 =	simm.s32 @p1 $0x1  }
0x15: {  	[smem:$0x3FB8] =	sst s0;
	s0 =	simm.s32 @!p2 $0x0  }
0x16: {  	s3 =	sld [smem:$0x3FDB];
	s0 =	simm.s32 @p2 $0x1  }
0x17: {  	s4 =	simm.s32 $0x1BF5;
	[smem:$0x3FBA] =	sst s0  }
0x18: {  	s0 =	sld [smem:$0x3F9D];
	_ =	swait.ge [sflag:s4], $0x0  }
0x19: {  	s7 =	sld [smem:$0x3F9E]  }
0x1a: {  	s8 =	sadd.s32 $0xFFFFE003, lr  }
0x1b: {  	s9 =	sadd.s32 $0xFFFFFEF7, lr;
	s5 =	simm.s32 $0xFFFFFFFF;
	p2 =	slt.u32 s8, $0xFFFFF086  }
0x1c: {  	p1 =	slt.u32 s9, $0xF7A;
	s5 =	simm.s32 @!p2 $0x0  }
0x1d: {  	s5 =	simm.s32 @p1 $0x1;
	p0 =	seq.s32 s7, s2  }
0x1e: {  	s7 =	smul.u32 @!p0 $0xF7A, s2;
	p2 =	seq.s32 @!p0 s5, $0x0  }
0x1f: {  	s9 =	smul.u32 $0xF7A, s1;
	s8 =	simm.s32 @!p0 $0x1BF5;
	p2 =	por !p2, p0  }
0x20: {  	[sflag:s8] =	ssyncset.s32 @!p0 $0xFFFFF086;
	s6 =	sadd.s32 @!p0 s3, s7;
	s7 =	simm.s32 @!p0 $0x108  }
0x21: {  	s3 =	sadd.s32 s3, s9;
	s6 =	sadd.s32 @!p0 $0x88, s6;
	s7 =	simm.s32 @p2 $0x1082  }
0x22: {  	[simem:s7], [sflag:s8] =	dma.local @!p0 [hbm:s6], $0xF7A  }
0x23: {  	s9 =	sor.u32 $0xD0000000, s2;
	s6 =	simm.s32 $0x108;
	_ =	swait.ge @!p0 [sflag:s8], $0x0  }
0x24: {  	s3 =	sadd.s32 $0x88, s3;
	s6 =	simm.s32 @!p1 $0x1082;
	[sflag:s4] =	ssyncset.s32 $0xFFFFF086  }
0x25: {  	[simem:s6], [sflag:s4] =	dma.local [hbm:s3], $0xF7A  }
0x26: {  	[smem:$0x3F9E] =	sst s1;
	(tag) =	ssettag s2;
	_ =	strace s9  }
0x27: {  	s1 =	sld [smem:$0x3FAE]  }
0x28: {  	s2 =	sld [smem:$0x3FAF]  }
0x29: {  	s4 =	sld [smem:$0x3FB1]  }
0x2a: {  	p0 =	seq.s32 s5, $0x0;
	s5 =	sld [smem:$0x3FB2]  }
0x2b: {  	s6 =	sld [smem:$0x3FB3]  }
0x2c: {  	s7 =	sld [smem:$0x3FB4]  }
0x2d: {  	s3 =	simm.s32 $0x108;
	s8 =	sld [smem:$0x3FB5]  }
0x2e: {  	s3 =	simm.s32 @!p0 $0x1082;
	s9 =	sld [smem:$0x3FB6]  }
0x2f: {  	lr =	sadd.s32 s0, s3;
	s0 =	sld [smem:$0x3FAD]  }
0x30: {  	s3 =	sld [smem:$0x3FB0]  }
0x31: {  	[smem:$0x3FB9] =	sst s10  }
0x32: {  	s10 =	sld [smem:$0x3FB7];
	_ =	sdelay $0x3  }
0x33: {  	p0 =	seq.s32 s10, $0x1;
	s10 =	sld [smem:$0x3FB9];
	_ =	sdelay $0x3  }
0x34: {  	[smem:$0x3FB9] =	sst s10  }
0x35: {  	s10 =	sld [smem:$0x3FB8];
	_ =	sdelay $0x3  }
0x36: {  	p1 =	seq.s32 s10, $0x1;
	s10 =	sld [smem:$0x3FB9];
	_ =	sdelay $0x3  }
0x37: {  	[smem:$0x3FB9] =	sst s10  }
0x38: {  	s10 =	sld [smem:$0x3FBA]  }
0x39: {  	_ = 	snop;
	(pc) =	sbr.ind lr, $3  }
0x3a: {  	_ = 	snop  }
0x3b: {  	_ = 	snop  }
0x3c: {  	p2 =	seq.s32 s10, $0x1;
	s10 =	sld [smem:$0x3FB9]  }
0x3d: {  	_ =	shalt  }
0x3e: {  	_ =	shalt  }
0x3f: {  	_ =	shalt  }
0x40: {  	_ =	shalt  }
0x41: {  	_ =	shalt  }
0x42: {  	_ =	shalt  }
0x43: {  	_ =	shalt  }
0x44: {  	_ =	shalt  }
0x45: {  	_ =	shalt  }
0x46: {  	_ =	shalt  }
0x47: {  	_ =	shalt  }
0x48: {  	_ =	shalt  }
0x49: {  	_ =	shalt  }
0x4a: {  	_ =	shalt  }
0x4b: {  	_ =	shalt  }
0x4c: {  	_ =	shalt  }
0x4d: {  	_ =	shalt  }
0x4e: {  	_ =	shalt  }
0x4f: {  	_ =	shalt  }
0x50: {  	_ =	shalt  }
0x51: {  	_ =	shalt  }
0x52: {  	_ =	shalt  }
0x53: {  	_ =	shalt  }
0x54: {  	_ =	shalt  }
0x55: {  	_ =	shalt  }
0x56: {  	_ =	shalt  }
0x57: {  	_ =	shalt  }
0x58: {  	_ =	shalt  }
0x59: {  	_ =	shalt  }
0x5a: {  	_ =	shalt  }
0x5b: {  	_ =	shalt  }
0x5c: {  	_ =	shalt  }
0x5d: {  	_ =	shalt  }
0x5e: {  	_ =	shalt  }
0x5f: {  	_ =	shalt  }
0x60: {  	_ =	shalt  }
0x61: {  	_ =	shalt  }
0x62: {  	_ =	shalt  }
0x63: {  	_ =	shalt  }
0x64: {  	_ =	shalt  }
0x65: {  	_ =	shalt  }
0x66: {  	_ =	shalt  }
0x67: {  	_ =	shalt  }
0x68: {  	_ =	shalt  }
0x69: {  	_ =	shalt  }
0x6a: {  	_ =	shalt  }
0x6b: {  	_ =	shalt  }
0x6c: {  	_ =	shalt  }
0x6d: {  	_ =	shalt  }
0x6e: {  	_ =	shalt  }
0x6f: {  	_ =	shalt  }
0x70: {  	_ =	shalt  }
0x71: {  	_ =	shalt  }
0x72: {  	_ =	shalt  }
0x73: {  	_ =	shalt  }
0x74: {  	_ =	shalt  }
0x75: {  	_ =	shalt  }
0x76: {  	_ =	shalt  }
0x77: {  	_ =	shalt  }
0x78: {  	_ =	shalt  }
0x79: {  	_ =	shalt  }
0x7a: {  	_ =	shalt  }
0x7b: {  	_ =	shalt  }
0x7c: {  	_ =	shalt  }
0x7d: {  	_ =	shalt  }
0x7e: {  	_ =	shalt  }
0x7f: {  	_ =	shalt  }
0x80: {  	_ =	shalt  }
0x81: {  	_ =	shalt  }
0x82: {  	_ =	shalt  }
0x83: {  	_ =	shalt  }
0x84: {  	_ =	shalt  }
0x85: {  	_ =	shalt  }
0x86: {  	_ =	shalt  }
0x87: {  	_ =	shalt  }
.Lfunc_end0:
.L_simem_size_0:
called_computation_lowered:
.L_overlay_start_0:
0x88: {  	s2 =	sld [smem:$0x3FD9]  }
0x89: {  	s3 =	sld [smem:$0x3FFE];
	_ =	sdelay $0x1  }
0x8a: {  	s1 =	srdreg.scid  }
0x8b: {  	s0 =	sand.u32 $0x1, s1  }
0x8c: {  	s17 =	sshll.u32 s0, $0xA;
	s2 =	sadd.s32 s3, s2  }
0x8d: {  	s2 =	sadd.s32 s2, s17  }
0x8e: {  	[smem:$0x3FC5] =	sst s2  }
0x8f: {  	_ = 	snop  }
0x90: {  	s2 =	sld [smem:$0x3FD0];
	(tm) =	ssettm $0x1  }
0x91: {  	s18 =	sld [smem:$0x3FFB];
	_ =	sdelay $0x3  }
0x92: {  	_ =	strace s18  }
0x93: {  	s3 =	sld [smem:$0x3FFC];
	_ =	sdelay $0x3  }
0x94: {  	_ =	strace s3  }
0x95: {  	s3 =	sld [smem:$0x3FFD];
	_ =	sdelay $0x3  }
0x96: {  	_ =	strace s3  }
0x97: {  	_ =	strace $0x8FFFFFFF  }
0x98: {  	s19 =	sld [smem:$0x3FDB];
	_ =	sdelay $0x1  }
0x99: {  	s4 =	simm.s32 $_scs_section_size  }
0x9a: {  	s5 =	simm.s32 $_size__tile_overlayer_lowered;
	s6 =	simm.s32 $_tile_overlayer_lowered  }
0x9b: {  	s22 =	simm.s32 $0x1BFF;
	s21 =	sshll.u32 s6, $0x1;
	s3 =	sadd.s32 s4, s19  }
0x9c: {  	s7 =	simm.s32 $0x0;
	s20 =	sshll.u32 s5, $0x1;
	s5 =	sadd.s32 s21, s3  }
0x9d: {  	[timem:s7], [sflag:s22] =	dma.local [hbm:s5], s20  }
0x9e: {  	_ =	swait.ge [sflag:s22], s20  }
0x9f: {  	s4 =	ssub.s32 $0x0, s20;
	[sflag:s22] =	ssyncset.done $0x0  }
0xa0: {  	[sflag:s22] =	ssyncadd.s32 s4;
	_ =	sdelay $0x1  }
0xa1: {  	s23 =	simm.s32 $0x1B8B  }
0xa2: {  	_ =	swait.ge [sflag:s23], $0x1  }
0xa3: {  	[sflag:s23] =	ssyncset.done $0x0  }
0xa4: {  	s25 =	simm.s32 $0x1B8E;
	s24 =	sld [smem:$0x3FFE];
	[sflag:s23] =	ssyncadd.s32 $0xFFFFFFFF  }
0xa5: {  	s26 =	simm.s32 $execute0_lowered;
	[smem:$0x3FD2] =	sst s25  }
0xa6: {  	s5 =	sshll.u32 s26, $0x1;
	_ =	strace $0x80000046;
	[dreg:$0x1] =	wrdreg $0xFFFFFFFF  }
0xa7: {  	s28 =	simm.s32 $_size_execute0_lowered;
	s3 =	sadd.s32 s3, s5;
	[dreg:$0x0] =	wrdreg $0x0  }
0xa8: {  	s5 =	sshll.u32 s28, $0x1;
	[dreg:$0x2] =	wrdreg s3  }
0xa9: {  	[dreg:$0x3] =	wrdreg s5  }
0xaa: {  	[dreg:$0x4] =	wrdreg $0xC0  }
0xab: {  	_ =	task [dreg:s7], $0x5FFFF  }
0xac: {  	[dreg:$0x1] =	wrdreg $0xFFFFFFFF  }
0xad: {  	[dreg:$0x0] =	wrdreg $0x60  }
0xae: {  	[dreg:$0x2] =	wrdreg s24  }
0xaf: {  	[dreg:$0x3] =	wrdreg s2  }
0xb0: {  	[dreg:$0x4] =	wrdreg $0x9  }
0xb1: {  	_ =	task.clear_ibuf [dreg:s7], $0x5FFFF;
	_ =	strace $0x90000046  }
0xb2: {  	s29 =	simm.s32 $0x9;
	_ =	strace $0x80000048  }
0xb3: {  	_ =	swait.ge [sflag:s29], $0x1  }
0xb4: {  	[sflag:s29] =	ssyncadd.s32 $0xFFFFFFFF  }
0xb5: {  	_ =	strace $0x90000048  }
0xb6: {  	_ =	sfence  }
0xb7: {  	s30 =	sld [smem:$0x0];
	_ =	sdelay $0x2  }
0xb8: {  	s31 =	sshll.u32 s1, $0xD;
	s1 =	sshrl.u32 s1, $0x2  }
0xb9: {  	s3 =	sand.u32 $0x4000, s31;
	s1 =	sadd.s32 s1, s30  }
0xba: {  	s0 =	sor.u32 s3, s0;
	s1 =	sshll.u32 s1, $0x11  }
0xbb: {  	s0 =	sor.u32 s1, s0  }
0xbc: {  	s0 =	sadd.s32 $0x8F2B, s0  }
0xbd: {  	[sflag:s0] =	ssyncadd.remote.s32 $0x1  }
0xbe: {  	_ =	sfence.sel $0xFFFF  }
0xbf: {  	[dreg:$0x0] =	wrdreg $0xFFFFFFFF;
	(pc) =	sbr.abs _section_cstart, $3  }
0xc0: {  	[dreg:$0x1] =	wrdreg $0xFFFFFFFF  }
0xc1: {  	_ =	task.clear_ibuf [dreg:s7], $0x2FFFF;
	_ =	strace $0x9FFFFFFF  }
0xc2: {  	(tm) =	ssettm $0x7FFFFFFF  }
0xc3: {  	_ =	shalt  }
tec
execute0_lowered:
.L_overlay_start_1:
0x0: {  	(tag) =	ssettag $0x1  }
0x1: {  	s3 =	rddreg [dreg:$0x0]  }
0x2: {  	s8 =	rddreg [dreg:$0x1]  }
0x3: {  	s0 =	rddreg [dreg:$0x2];
	s2 =	simm.s32 $0x0;
	s4 =	srdreg.scid  }
0x4: {  	s1 =	stileid.u32;
	s14 =	simm.s32 $0x6000;
	s15 =	simm.s32 $0x8000  }
0x5: {  	v0 =	vimm.s32 $0xFEDCBA98;
	v1 =	vimm.s32 $0x76543210;
	s16 =	simm.s32 $0x8080;
	s17 =	simm.s32 $0x8100;
	s18 =	simm.s32 $0x0  }
0x6: {  	v3 =	vimm.s32 $0x32107654;
	v4 =	vimm.s32 $0xDCFE98BA;
	[smem:$0x7FF] =	sst s2;
	s5 =	sadd.s32 $0x10E00, s3;
	s4 =	sand.u32 $0x1, s4  }
0x7: {  	v5 =	vimm.s32 $0x54761032;
	v6 =	vimm.s32 $0xEFCDAB89;
	s6 =	sshll.u32 s1, $0x9;
	s9 =	sshrl.u32 s1, $0x1;
	s10 =	sadd.s32 $0xE00, s3  }
0x8: {  	v7 =	vimm.s32 $0x67452301;
	v0 =	vunpack.c.l.s4.s8 v0;
	v3 =	vunpack.c.l.s4.s8 v3;
	_ =	strace $0x80000047;
	s7 =	sshll.u32 s4, $0x8;
	s6 =	sand.u32 $0x200, s6  }
0x9: {  	v4 =	vunpack.c.l.s4.s8 v4;
	v5 =	vunpack.c.l.s4.s8 v5;
	v6 =	vunpack.c.l.s4.s8 v6;
	s28 =	sshll.u32 s9, $0x10;
	s29 =	ssub.s32 $0x2, s4;
	s6 =	sor.u32 s7, s6  }
0xa: {  	v7 =	vunpack.c.l.s4.s8 v7;
	s9 =	sshll.u32 s9, $0xA;
	v2 =	vunpack.c.0.s8.s32 v0;
	v0 =	vimm.s32 $0xBA98FEDC;
	s11 =	sshrl.u32 s29, $0x1;
	s30 =	sor.u32 s28, s6  }
0xb: {  	v4 =	vunpack.c.0.s8.s32 v4;
	v5 =	vunpack.c.0.s8.s32 v5;
	s12 =	sor.u32 $0x80, s6;
	v0 =	vunpack.c.l.s4.s8 v0;
	s11 =	ssub.s32 s29, s11;
	s13 =	sor.u32 s9, s6  }
0xc: {  	v1 =	vunpack.c.l.s4.s8 v1;
	v6 =	vunpack.c.0.s8.s32 v6;
	v7 =	vunpack.c.0.s8.s32 v7;
	s4 =	sshrl.u32 s30, $0x3;
	s7 =	sor.u32 s28, s12;
	s9 =	sor.u32 s9, s12  }
.Ltmp0:
0xd: {  	v3 =	vunpack.c.0.s8.s32 v3;
	s31 =	sshrl.u32 s13, $0x3;
	s12 =	simm.s32 $0x1;
	v5 =	vcombine.low v5, v4;
	v0 =	vunpack.c.0.s8.s32 v0;
	(pc) =	sbr.rel .LBB2_1-.Ltmp0, $4  }
0xe: {  	v9 =	vand.u32 $0xF, v2;
	v6 =	vcombine.low v7, v6;
	s13 =	simm.s32 $0x2000;
	s3 =	sadd.s32 s5, s4;
	s7 =	sshrl.u32 s7, $0x3  }
0xf: {  	s4 =	sadd.s32 s10, s4;
	s9 =	sshrl.u32 s9, $0x3;
	s5 =	sadd.s32 s5, s7;
	v5 =	vand.u32 $0xF, v5;
	v8 =	vcombine.low v3, v0;
	v3 =	vunpack.c.0.s8.s32 v1  }
0x10: {  	s6 =	sadd.s32 s10, s7;
	s7 =	sadd.s32 s8, s31;
	s8 =	sadd.s32 s8, s9;
	v6 =	vand.u32 $0xF, v6;
	v0 =	vlaneseq.u32;
	v1 =	vimm.s32 $0x0  }
0x11: {  	s9 =	smax.u32 s11, $0x1;
	s10 =	simm.s32 $0x80;
	s11 =	simm.s32 $0x400;
	v2 =	vmul.u32 $0xFFFFFFFF, v0;
	v3 =	vcombine.low v9, v3;
	v4 =	vand.u32 $0xF, v8  }
.LBB2_59:
0x12: {  	[hbm4b:s7+s2] =	stream.linear.scatter [tilespmem:s16], [sflag:$0x1], $0x80, $0x38;
	[tilespmem:$0x8180] =	vst v63  }
0x13: {  	s18 =	sadd.s32 $0x1, s18;
	_ =	swait.ge [sflag:s12], $0x80  }
0x14: {  	p0 =	sne.s32 s18, s9;
	[sflag:s12] =	ssyncset.done $0x0  }
.Ltmp1:
0x15: {  	[sflag:s12] =	ssyncadd.s32 $0xFFFFFF80;
	(pc) =	sbr.rel @!p0 .LBB2_60-.Ltmp1, $4  }
0x16: {  	[hbm4b:s8+s2] =	stream.linear.scatter [tilespmem:s17], [sflag:$0x1], $0x80, $0x38;
	[tilespmem:$0x8180] =	vst v63  }
0x17: {  	_ =	swait.ge [sflag:s12], $0x80  }
0x18: {  	[sflag:s12] =	ssyncset.done $0x0  }
0x19: {  	[sflag:s12] =	ssyncadd.s32 $0xFFFFFF80  }
.LBB2_1:
0x1a: {  	[tilespmem:s2], [sflag:$0x1] =	stream.strided.gather [hbm4b:s3+s10], $0x2000, s11, s10, $0x38;
	[tilespmem:$0x8180] =	vst v63  }
0x1b: {  	_ =	swait.ge [sflag:s12], $0x2000  }
0x1c: {  	[sflag:s12] =	ssyncset.done $0x0  }
.Ltmp2:
0x1d: {  	[sflag:s12] =	ssyncadd.s32 $0xFFFFE000;
	(pc) =	sbr.rel .LBB2_2-.Ltmp2, $4  }
0x1e: {  	[tilespmem:s13], [sflag:$0x1] =	stream.strided.gather [hbm4b:s4+s10], $0x2000, s11, s10, $0x38;
	[tilespmem:$0x8180] =	vst v63  }
0x1f: {  	_ =	swait.ge [sflag:s12], $0x2000  }
0x20: {  	[sflag:s12] =	ssyncset.done $0x0  }
0x21: {  	s19 =	simm.s32 $0x0;
	[sflag:s12] =	ssyncadd.s32 $0xFFFFE000  }
.LBB2_29:
0x22: {  	s19 =	sadd.s32 $0x1, s19  }
0x23: {  	p0 =	sne.s32 s19, $0x8  }
.Ltmp3:
0x24: {  	_ = 	snop;
	(pc) =	sbr.rel @!p0 .LBB2_30-.Ltmp3, $3  }
0x25: {  	_ =	sdelay $0x1  }
0x26: {  	s20 =	sand.u32 $0x3FFFFFF0, s20  }
0x27: {  	[tilespmem:s20+$0x8080] =	vst v7  }
.LBB2_2:
0x28: {  	s20 =	sshll.u32 s19, $0x4;
	s21 =	simm.s32 $0x0;
	v7 =	vimm.f32 $0.0e+00  }
.LBB2_3:
0x29: {  	s23 =	simm.s32 $0x0  }
0x2a: {  	s22 =	sadd.s32 s20, s21;
	v9 =	vld [tilespmem:s23+$0x30]  }
0x2b: {  	s22 =	scvt.s32.f32 s22;
	v10 =	vld [tilespmem:s23+$0x2030]  }
0x2c: {  	v11 =	vld [tilespmem:s23+$0x0]  }
0x2d: {  	v12 =	vld [tilespmem:s23+$0x2000];
	s22 =	smul.f32 $7.874015710e-03, s22;
	_ =	sdelay $0x1  }
0x2e: {  	v17 =	vld [tilespmem:s23+$0x10];
	v8 =	vmov s22  }
0x2f: {  	v16 =	vld [tilespmem:s23+$0x2010];
	v9 =	vsub.f32 v8, v9  }
0x30: {  	v13 =	vld [tilespmem:s23+$0x20];
	v10 =	vsub.f32 v10, v8;
	v18 =	vsub.f32 v8, v11  }
0x31: {  	v15 =	vld [tilespmem:s23+$0x2020];
	s22 =	simm.s32 $0x40;
	v20 =	vsub.f32 v12, v8;
	v11 =	vimm.f32 $0.0e+00;
	v12 =	vimm.f32 $0.0e+00  }
0x32: {  	s24 =	simm.s32 $0x200;
	v14 =	vld [tilespmem:s22+$0x30];
	v19 =	vclamp.gez.f32 v9, v10;
	v10 =	vimm.f32 $0.0e+00;
	v9 =	vimm.f32 $0.0e+00  }
.LBB2_4:
0x33: {  	p0 =	sne.s32 s24, $0x7F00;
	v21 =	vld [tilespmem:s22+$0x2030];
	v22 =	vsub.f32 v8, v17;
	[tilespmem:s23+$0x4030] =	vst v19;
	v10 =	vmax.f32 v10, v19  }
0x34: {  	v19 =	vld [tilespmem:s22+$0x0];
	v17 =	vclamp.gez.f32 v18, v20;
	v16 =	vsub.f32 v16, v8  }
0x35: {  	v20 =	vld [tilespmem:s22+$0x2000];
	[tilespmem:s23+$0x4000] =	vst v17;
	v11 =	vmax.f32 v11, v17;
	v18 =	vsub.f32 v8, v13  }
.Ltmp4:
0x36: {  	v17 =	vld [tilespmem:s22+$0x10];
	v13 =	vclamp.gez.f32 v22, v16;
	v15 =	vsub.f32 v15, v8;
	(pc) =	sbr.rel @p0 .LBB2_4-.Ltmp4, $4  }
0x37: {  	v16 =	vld [tilespmem:s22+$0x2010];
	[tilespmem:s23+$0x4010] =	vst v13;
	v12 =	vmax.f32 v12, v13  }
0x38: {  	v22 =	vsub.f32 v8, v14;
	v13 =	vld [tilespmem:s22+$0x20];
	v21 =	vsub.f32 v21, v8;
	v14 =	vclamp.gez.f32 v18, v15  }
0x39: {  	v18 =	vsub.f32 v8, v19;
	v15 =	vld [tilespmem:s22+$0x2020];
	[tilespmem:s23+$0x4020] =	vst v14;
	v9 =	vmax.f32 v9, v14;
	s23 =	smov.u32 s22;
	s22 =	sshra.s32 s24, $0x2  }
0x3a: {  	s24 =	sadd.s32 $0x100, s24;
	v14 =	vld [tilespmem:s22+$0x30];
	v20 =	vsub.f32 v20, v8;
	v19 =	vclamp.gez.f32 v22, v21  }
0x3b: {  	v21 =	vld [tilespmem:s22+$0x2030];
	[tilespmem:s23+$0x4030] =	vst v19  }
0x3c: {  	v17 =	vsub.f32 v8, v17;
	v22 =	vld [tilespmem:s22+$0x0];
	v18 =	vclamp.gez.f32 v18, v20;
	v16 =	vsub.f32 v16, v8  }
0x3d: {  	v58 =	vld [tilespmem:s22+$0x2000];
	[tilespmem:s23+$0x4000] =	vst v18  }
0x3e: {  	v23 =	vld [tilespmem:s22+$0x10];
	v16 =	vclamp.gez.f32 v17, v16  }
0x3f: {  	v59 =	vld [tilespmem:s22+$0x2010];
	[tilespmem:s23+$0x4010] =	vst v16  }
0x40: {  	v24 =	vld [tilespmem:s22+$0x20]  }
0x41: {  	v13 =	vsub.f32 v8, v13;
	v15 =	vsub.f32 v15, v8;
	v25 =	vld [tilespmem:s22+$0x2020]  }
0x42: {  	v10 =	vmax.f32 v10, v19;
	v11 =	vmax.f32 v11, v18;
	v12 =	vmax.f32 v12, v16  }
0x43: {  	v14 =	vsub.f32 v8, v14;
	v13 =	vclamp.gez.f32 v13, v15;
	v15 =	vsub.f32 v21, v8  }
0x44: {  	v60 =	vsub.f32 v8, v22;
	v61 =	vmax.f32 v9, v13;
	v9 =	vsub.f32 v58, v8  }
0x45: {  	[tilespmem:s23+$0x4020] =	vst v13;
	v13 =	vclamp.gez.f32 v14, v15;
	v14 =	vsub.f32 v8, v23;
	v15 =	vsub.f32 v59, v8  }
0x46: {  	[tilespmem:s22+$0x4030] =	vst v13;
	v9 =	vclamp.gez.f32 v60, v9;
	v62 =	vsub.f32 v8, v24;
	v63 =	vsub.f32 v25, v8  }
0x47: {  	[tilespmem:s22+$0x4000] =	vst v9;
	v8 =	vmax.f32 v10, v13;
	v10 =	vmax.f32 v11, v9;
	v11 =	vclamp.gez.f32 v14, v15  }
0x48: {  	v13 =	vimm.s32 $0x0;
	v9 =	vimm.s32 $0x3F000000;
	[tilespmem:s22+$0x4010] =	vst v11;
	v14 =	vclamp.gez.f32 v62, v63  }
0x49: {  	v12 =	vmax.f32 v12, v11;
	[tilespmem:s22+$0x4020] =	vst v14;
	v11 =	vmax.f32 v61, v14;
	v14 =	vadd.s32 v13, v9;
	s22 =	simm.s32 $0x1E  }
.LBB2_6:
0x4a: {  	p0 =	sne.s32 s22, $0x1;
	v15 =	vand.u32 $0x1, v14  }
0x4b: {  	v16 =	vshrl.u32 v14, $0x1F;
	vm0 =	vlt.s32 v14, $0x1;
	vm1 =	veq.s32 v15, $0x1  }
0x4c: {  	v14 =	vadd.s32 v16, v14;
	vm0 =	vmand vm0, vm1  }
0x4d: {  	v14 =	vshra.s32 v14, $0x1;
	v15 =	vsel vm0, $0xFFFFFFFF, v1  }
0x4e: {  	v14 =	vadd.s32 v15, v14  }
0x4f: {  	vm0 =	vgt.f32 v10, v14;
	vm1 =	vgt.f32 v12, v14  }
0x50: {  	v15 =	vmpcnt.ones.xlane vm0;
	v16 =	vmpcnt.ones.xlane vm1;
	vm0 =	vgt.f32 v11, v14  }
0x51: {  	v17 =	vmpcnt.ones.xlane vm0;
	vm0 =	vgt.f32 v8, v14  }
0x52: {  	v15 =	vadd.s32 v15, v16;
	v16 =	vmpcnt.ones.xlane vm0  }
.Ltmp5:
0x53: {  	v15 =	vadd.s32 v17, v15;
	(pc) =	sbr.rel @p0 .LBB2_6-.Ltmp5, $4  }
0x54: {  	v15 =	vadd.s32 v16, v15  }
0x55: {  	vm0 =	vgt.s32 v15, $0x1F  }
0x56: {  	v13 =	vsel vm0, v14, v13;
	v9 =	vsel vm0, v9, v14  }
0x57: {  	s22 =	sadd.s32 $0xFFFFFFFF, s22;
	v14 =	vadd.s32 v13, v9  }
0x58: {  	v13 =	vand.u32 $0x1, v14  }
0x59: {  	v15 =	vshrl.u32 v14, $0x1F;
	vm0 =	vlt.s32 v14, $0x1;
	vm1 =	veq.s32 v13, $0x1  }
0x5a: {  	v62 =	vadd.s32 v15, v14;
	vm0 =	vmand vm0, vm1  }
0x5b: {  	v13 =	vshra.s32 v62, $0x1;
	v63 =	vsel vm0, $0xFFFFFFFF, v1  }
0x5c: {  	v13 =	vadd.s32 v63, v13  }
0x5d: {  	vm11 =	vgt.f32 v10, v13;
	vm12 =	vgt.f32 v12, v13  }
0x5e: {  	vm13 =	vgt.f32 v11, v13;
	v10 =	vmpcnt.ones.xlane vm11;
	v12 =	vmpcnt.ones.xlane vm12  }
0x5f: {  	vm14 =	vgt.f32 v8, v13;
	v11 =	vmpcnt.ones.xlane vm13  }
0x60: {  	v8 =	vadd.s32 v10, v12;
	v10 =	vmpcnt.ones.xlane vm14  }
0x61: {  	v8 =	vadd.s32 v11, v8  }
0x62: {  	v8 =	vadd.s32 v10, v8  }
0x63: {  	vm15 =	vgt.s32 v8, $0x1F  }
0x64: {  	s23 =	simm.s32 $0x0;
	s22 =	simm.s32 $0x40;
	v8 =	vlaneseq.u32;
	v10 =	vsel vm15, v9, v13;
	v9 =	vlaneseq.u32  }
.LBB2_8:
0x65: {  	p0 =	sne.s32 s22, $0x7FC0;
	v11 =	vld [tilespmem:s23+$0x4000];
	_ =	sdelay $0x4  }
0x66: {  	vm0 =	vgt.f32 v11, v10  }
0x67: {  	v12 =	vsel vm0, $0x10, v1  }
.Ltmp6:
0x68: {  	v9 =	vadd.s32 v9, v12;
	(pc) =	sbr.rel @p0 .LBB2_8-.Ltmp6, $2  }
0x69: {  	_ =	sdelay $0x2  }
0x6a: {  	s23 =	sshra.s32 s22, $0x2;
	s22 =	sadd.s32 $0x40, s22;
	[tilespmem:v8+s14+$0x0] =	vst.idx.msk vm0, v11;
	v8 =	vmov v9  }
0x6b: {  	v11 =	vld [tilespmem:s23+$0x4000];
	_ =	sdelay $0x4  }
0x6c: {  	vm0 =	vgt.f32 v11, v10  }
0x6d: {  	v12 =	vsel vm0, $0x10, v1  }
0x6e: {  	v9 =	vadd.s32 v9, v12  }
0x6f: {  	v9 =	vadd.s32 v2, v9  }
0x70: {  	v62 =	vshra.s32 v9, $0x1F;
	v13 =	vand.u32 $0xF, v9  }
0x71: {  	vm2 =	vlt.s32 v9, $0x1;
	vm1 =	vne.s32 v13, $0x0;
	v12 =	vshrl.u32 v62, $0x1C  }
0x72: {  	vm1 =	vmand vm2, vm1;
	v9 =	vadd.s32 v12, v9  }
0x73: {  	v9 =	vshra.s32 v9, $0x4;
	v63 =	vsel vm1, $0xFFFFFFFF, v1  }
0x74: {  	v9 =	vadd.s32 v63, v9  }
0x75: {  	v12 =	vcvt.s32.f32 v9  }
0x76: {  	[tilespmem:v8+s14+$0x0] =	vst.idx.msk vm0, v11  }
0x77: {  	[tilespmem:$0x8000] =	vst v12  }
0x78: {  	v8 =	vld.idx.msk [tilespmem:v3+s15+$0x0], $0xffff;
	_ =	sdelay $0x4  }
0x79: {  	v8 =	vmax.f32 v12, v8  }
0x7a: {  	[tilespmem:$0x8000] =	vst v8  }
0x7b: {  	v11 =	vld.idx.msk [tilespmem:v4+s15+$0x0], $0xffff;
	_ =	sdelay $0x4  }
0x7c: {  	v8 =	vmax.f32 v8, v11  }
0x7d: {  	[tilespmem:$0x8000] =	vst v8  }
0x7e: {  	v11 =	vld.idx.msk [tilespmem:v5+s15+$0x0], $0xffff;
	_ =	sdelay $0x4  }
0x7f: {  	v8 =	vmax.f32 v8, v11  }
0x80: {  	[tilespmem:$0x8000] =	vst v8  }
0x81: {  	v11 =	vld.idx.msk [tilespmem:v6+s15+$0x0], $0xffff;
	_ =	sdelay $0x4  }
0x82: {  	v8 =	vmax.f32 v8, v11  }
0x83: {  	(v2sf) =	vpush v8, $0x0;
	_ =	sdelay $0xe  }
0x84: {  	s22 =	spop (v2sf)  }
0x85: {  	s22 =	scvt.f32.s32 s22;
	_ =	sdelay $0x1  }
0x86: {  	s23 =	simm.s32 $0x0;
	v8 =	vimm.s32 $0x3F000000;
	p0 =	slt.s32 s22, $0x1  }
.LBB2_10:
0x87: {  	s23 =	sadd.s32 $0x1, s23  }
.LBB2_11:
0x88: {  	v11 =	vadd.s32 v10, v8  }
.Ltmp7:
0x89: {  	v12 =	vand.u32 $0x1, v11;
	(pc) =	sbr.rel @!p0 .LBB2_12-.Ltmp7, $4  }
0x8a: {  	v13 =	vshrl.u32 v11, $0x1F;
	vm0 =	vlt.s32 v11, $0x1;
	vm1 =	veq.s32 v12, $0x1  }
0x8b: {  	v11 =	vadd.s32 v13, v11;
	vm0 =	vmand vm0, vm1  }
0x8c: {  	v11 =	vshra.s32 v11, $0x1;
	v63 =	vsel vm0, $0xFFFFFFFF, v1  }
0x8d: {  	v11 =	vadd.s32 v63, v11  }
0x8e: {  	s23 =	sadd.s32 $0x1, s23  }
0x8f: {  	p1 =	sne.s32 s23, $0x20  }
.Ltmp8:
0x90: {  	_ = 	snop;
	(pc) =	sbr.rel @p1 .LBB2_11-.Ltmp8, $4  }
.Ltmp9:
0x91: {  	_ = 	snop;
	(pc) =	sbr.rel @!p1 .LBB2_22-.Ltmp9, $4  }
0x92: {  	_ = 	snop  }
0x93: {  	_ = 	snop  }
0x94: {  	v8 =	vmov v11  }
0x95: {  	_ = 	snop  }
.LBB2_12:
0x96: {  	p2 =	sne.s32 s22, $0x1  }
.Ltmp10:
0x97: {  	_ = 	snop;
	(pc) =	sbr.rel @!p2 .LBB2_13-.Ltmp10, $3  }
0x98: {  	_ =	sdelay $0x1  }
0x99: {  	s26 =	simm.s32 $0x6000  }
0x9a: {  	s25 =	simm.s32 $0x0;
	v12 =	vimm.s32 $0x0;
	s24 =	simm.s32 $0x1;
	p1 =	por $0x0, $0x0;
	v13 =	vld [tilespmem:s26+$0x0]  }
0x9b: {  	_ = 	snop  }
0x9c: {  	p2 =	sne.s32 s22, $0x2  }
.Ltmp11:
0x9d: {  	_ = 	snop;
	(pc) =	sbr.rel @!p2 .LBB2_15-.Ltmp11, $4  }
0x9e: {  	v14 =	vmov s25  }
0x9f: {  	vm1 =	vlt.s32 v14, v9;
	vm0 =	vgt.f32 v13, v11  }
0xa0: {  	s25 =	simm.s32 $0x6010;
	vm0 =	vmand vm1, vm0  }
0xa1: {  	s26 =	simm.s32 $0x2;
	p1 =	por $0x1, $0x1;
	v14 =	vimm.s32 $0x0;
	v13 =	vld [tilespmem:s25+$0x0];
	v15 =	vmpcnt.ones.xlane vm0  }
.LBB2_16:
0xa2: {  	s28 =	smov.u32 s26;
	s26 =	sadd.s32 $0x1, s26  }
0xa3: {  	p2 =	sne.s32 s22, s26  }
.Ltmp12:
0xa4: {  	v14 =	vadd.s32 v14, v15;
	(pc) =	sbr.rel @p2 .LBB2_16-.Ltmp12, $4  }
0xa5: {  	v15 =	vmov s24;
	s24 =	smov.u32 s28  }
0xa6: {  	s25 =	sadd.s32 $0x10, s25;
	vm1 =	vlt.s32 v15, v9;
	vm0 =	vgt.f32 v13, v11  }
0xa7: {  	v13 =	vld [tilespmem:s25+$0x0];
	vm0 =	vmand vm1, vm0  }
0xa8: {  	v15 =	vmpcnt.ones.xlane vm0  }
0xa9: {  	s25 =	smov.u32 s24  }
.LBB2_18:
0xaa: {  	_ = 	snop  }
0xab: {  	v16 =	vmov s25  }
0xac: {  	vm1 =	vlt.s32 v16, v9;
	vm0 =	vgt.f32 v13, v11;
	v13 =	vadd.s32 @p1 v14, v15  }
0xad: {  	vm0 =	vmand vm1, vm0;
	v12 =	vpsel p1, v13, v12;
	p1 =	seq.s32 s23, $0x1F  }
.Ltmp13:
0xae: {  	v63 =	vmpcnt.ones.xlane vm0;
	(pc) =	sbr.rel @!p1 .LBB2_10-.Ltmp13, $4  }
.Ltmp14:
0xaf: {  	_ = 	snop;
	(pc) =	sbr.rel @p1 .LBB2_19-.Ltmp14, $4  }
0xb0: {  	v12 =	vadd.s32 v12, v63  }
0xb1: {  	vm15 =	vgt.s32 v12, $0x1F  }
0xb2: {  	v10 =	vsel vm15, v11, v10;
	v8 =	vsel vm15, v8, v11  }
0xb3: {  	_ = 	snop  }
.LBB2_13:
.Ltmp15:
0xb4: {  	(pc) =	sbr.rel .LBB2_18-.Ltmp15, $2  }
0xb5: {  	_ =	sdelay $0x2  }
0xb6: {  	v14 =	vimm.s32 $0x0  }
.LBB2_15:
.Ltmp16:
0xb7: {  	(pc) =	sbr.rel .LBB2_18-.Ltmp16, $2  }
0xb8: {  	_ =	sdelay $0x2  }
0xb9: {  	v14 =	vimm.s32 $0x0;
	s25 =	simm.s32 $0x1  }
.LBB2_22:
0xba: {  	v9 =	vimm.f32 $3.200000000e+01;
	v10 =	vimm.f32 $0.0e+00;
	v8 =	vmov v11  }
.LBB2_28:
0xbb: {  	_ =	sdelay $0x2  }
0xbc: {  	[tilespmem:$0x8000] =	vst v10  }
0xbd: {  	v11 =	vld.idx.msk [tilespmem:v3+s15+$0x0], $0xffff;
	_ =	sdelay $0x4  }
0xbe: {  	v59 =	vadd.f32 v11, v10;
	_ =	sdelay $0x1  }
0xbf: {  	[tilespmem:$0x8000] =	vst v59  }
0xc0: {  	v60 =	vld.idx.msk [tilespmem:v4+s15+$0x0], $0xffff;
	_ =	sdelay $0x4  }
0xc1: {  	v10 =	vadd.f32 v60, v59;
	_ =	sdelay $0x1  }
0xc2: {  	[tilespmem:$0x8000] =	vst v10  }
0xc3: {  	v61 =	vld.idx.msk [tilespmem:v5+s15+$0x0], $0xffff;
	_ =	sdelay $0x4  }
0xc4: {  	v10 =	vadd.f32 v61, v10;
	_ =	sdelay $0x1  }
0xc5: {  	[tilespmem:$0x8000] =	vst v10  }
0xc6: {  	v62 =	vld.idx.msk [tilespmem:v6+s15+$0x0], $0xffff;
	_ =	sdelay $0x2  }
0xc7: {  	v63 =	vmov s21;
	s21 =	sadd.s32 $0x1, s21  }
0xc8: {  	p0 =	sne.s32 s21, $0x10  }
.Ltmp17:
0xc9: {  	v8 =	vmul.f32 v8, v9;
	v10 =	vadd.f32 v62, v10;
	(pc) =	sbr.rel @p0 .LBB2_3-.Ltmp17, $4  }
.Ltmp18:
0xca: {  	_ = 	snop;
	(pc) =	sbr.rel @!p0 .LBB2_29-.Ltmp18, $4  }
0xcb: {  	v8 =	vadd.f32 v10, v8  }
0xcc: {  	vm0 =	veq.s32 v63, v0  }
0xcd: {  	v7 =	vsel vm0, v8, v7  }
0xce: {  	_ = 	snop  }
.LBB2_19:
0xcf: {  	p1 =	sne.s32 s22, $0x1  }
.Ltmp19:
0xd0: {  	_ = 	snop;
	(pc) =	sbr.rel @!p1 .LBB2_20-.Ltmp19, $3  }
0xd1: {  	_ =	sdelay $0x1  }
0xd2: {  	s25 =	simm.s32 $0x6000  }
0xd3: {  	s24 =	simm.s32 $0x0;
	v10 =	vimm.f32 $0.0e+00;
	v11 =	vimm.s32 $0x0;
	s23 =	simm.s32 $0x1;
	p0 =	por $0x0, $0x0;
	v13 =	vld [tilespmem:s25+$0x0]  }
0xd4: {  	_ =	sdelay $0x1  }
0xd5: {  	p1 =	sne.s32 s22, $0x2  }
.Ltmp20:
0xd6: {  	v12 =	vmov s24;
	(pc) =	sbr.rel @!p1 .LBB2_24-.Ltmp20, $4  }
0xd7: {  	vm1 =	vlt.s32 v12, v9;
	vm0 =	vgt.f32 v13, v8  }
0xd8: {  	s24 =	simm.s32 $0x6010;
	vm0 =	vmand vm1, vm0  }
0xd9: {  	v12 =	vnsel vm0, $0x0, v13;
	v13 =	vld [tilespmem:s24+$0x0]  }
0xda: {  	s25 =	simm.s32 $0x2;
	p0 =	por $0x1, $0x1;
	v14 =	vmpcnt.ones.xlane vm0;
	v10 =	vadd.f32 v12, v10;
	v12 =	vimm.s32 $0x0  }
.LBB2_25:
0xdb: {  	s26 =	smov.u32 s25;
	s25 =	sadd.s32 $0x1, s25  }
0xdc: {  	v12 =	vadd.s32 v12, v14;
	p1 =	sne.s32 s22, s25  }
.Ltmp21:
0xdd: {  	v15 =	vmov s23;
	s23 =	smov.u32 s26;
	(pc) =	sbr.rel @p1 .LBB2_25-.Ltmp21, $4  }
0xde: {  	s24 =	sadd.s32 $0x10, s24;
	vm1 =	vlt.s32 v15, v9;
	vm0 =	vgt.f32 v13, v8;
	v14 =	vmov v13  }
0xdf: {  	v13 =	vld [tilespmem:s24+$0x0];
	vm0 =	vmand vm1, vm0  }
0xe0: {  	v15 =	vnsel vm0, $0x0, v14;
	v14 =	vmpcnt.ones.xlane vm0  }
0xe1: {  	v10 =	vadd.f32 v15, v10  }
0xe2: {  	s24 =	smov.u32 s23  }
.LBB2_27:
0xe3: {  	v15 =	vmov s24  }
0xe4: {  	vm0 =	vgt.f32 v13, v8;
	vm1 =	vlt.s32 v15, v9  }
0xe5: {  	vm0 =	vmand vm1, vm0  }
.Ltmp22:
0xe6: {  	v9 =	vadd.s32 @p0 v12, v14;
	v63 =	vmpcnt.ones.xlane vm0;
	(pc) =	sbr.rel .LBB2_28-.Ltmp22, $4  }
0xe7: {  	v9 =	vpsel p0, v9, v11  }
0xe8: {  	v9 =	vadd.s32 v9, v63  }
0xe9: {  	v11 =	vnsel vm0, $0x0, v13;
	v9 =	vsub.s32 $0x20, v9  }
0xea: {  	v10 =	vadd.f32 v11, v10;
	v9 =	vcvt.s32.f32 v9  }
.LBB2_20:
.Ltmp23:
0xeb: {  	(pc) =	sbr.rel .LBB2_27-.Ltmp23, $2  }
0xec: {  	_ =	sdelay $0x2  }
0xed: {  	v12 =	vimm.s32 $0x0  }
.LBB2_24:
.Ltmp24:
0xee: {  	(pc) =	sbr.rel .LBB2_27-.Ltmp24, $2  }
0xef: {  	_ =	sdelay $0x2  }
0xf0: {  	v12 =	vimm.s32 $0x0;
	s24 =	simm.s32 $0x1  }
.LBB2_30:
0xf1: {  	s19 =	simm.s32 $0x0  }
0xf2: {  	[tilespmem:s19], [sflag:$0x1] =	stream.strided.gather [hbm4b:s5+s10], $0x2000, s11, s10, $0x38;
	[tilespmem:$0x8180] =	vst v63  }
0xf3: {  	_ =	swait.ge [sflag:s12], $0x2000  }
0xf4: {  	[sflag:s12] =	ssyncset.done $0x0  }
.Ltmp25:
0xf5: {  	[sflag:s12] =	ssyncadd.s32 $0xFFFFE000;
	(pc) =	sbr.rel .LBB2_31-.Ltmp25, $4  }
0xf6: {  	[tilespmem:s13], [sflag:$0x1] =	stream.strided.gather [hbm4b:s6+s10], $0x2000, s11, s10, $0x38;
	[tilespmem:$0x8180] =	vst v63  }
0xf7: {  	_ =	swait.ge [sflag:s12], $0x2000  }
0xf8: {  	[sflag:s12] =	ssyncset.done $0x0  }
0xf9: {  	[sflag:s12] =	ssyncadd.s32 $0xFFFFE000  }
.LBB2_58:
0xfa: {  	s19 =	sadd.s32 $0x1, s19  }
0xfb: {  	p0 =	sne.s32 s19, $0x8  }
.Ltmp26:
0xfc: {  	_ = 	snop;
	(pc) =	sbr.rel @!p0 .LBB2_59-.Ltmp26, $3  }
0xfd: {  	_ =	sdelay $0x1  }
0xfe: {  	s20 =	sand.u32 $0x3FFFFFF0, s20  }
0xff: {  	[tilespmem:s20+$0x8100] =	vst v7  }
.LBB2_31:
0x100: {  	s20 =	sshll.u32 s19, $0x4;
	v7 =	vimm.f32 $0.0e+00;
	s21 =	simm.s32 $0x0  }
.LBB2_32:
0x101: {  	s23 =	simm.s32 $0x0  }
0x102: {  	s22 =	sadd.s32 s20, s21;
	v9 =	vld [tilespmem:s23+$0x30]  }
0x103: {  	s22 =	scvt.s32.f32 s22;
	v10 =	vld [tilespmem:s23+$0x2030]  }
0x104: {  	v11 =	vld [tilespmem:s23+$0x0]  }
0x105: {  	v12 =	vld [tilespmem:s23+$0x2000];
	s22 =	smul.f32 $7.874015710e-03, s22;
	_ =	sdelay $0x1  }
0x106: {  	v17 =	vld [tilespmem:s23+$0x10];
	v8 =	vmov s22  }
0x107: {  	v16 =	vld [tilespmem:s23+$0x2010];
	v9 =	vsub.f32 v8, v9  }
0x108: {  	v13 =	vld [tilespmem:s23+$0x20];
	v10 =	vsub.f32 v10, v8;
	v18 =	vsub.f32 v8, v11  }
0x109: {  	v15 =	vld [tilespmem:s23+$0x2020];
	s22 =	simm.s32 $0x40;
	v20 =	vsub.f32 v12, v8;
	v11 =	vimm.f32 $0.0e+00;
	v12 =	vimm.f32 $0.0e+00  }
0x10a: {  	s24 =	simm.s32 $0x200;
	v14 =	vld [tilespmem:s22+$0x30];
	v19 =	vclamp.gez.f32 v9, v10;
	v10 =	vimm.f32 $0.0e+00;
	v9 =	vimm.f32 $0.0e+00  }
.LBB2_33:
0x10b: {  	p0 =	sne.s32 s24, $0x7F00;
	v21 =	vld [tilespmem:s22+$0x2030];
	v22 =	vsub.f32 v8, v17;
	[tilespmem:s23+$0x4030] =	vst v19;
	v10 =	vmax.f32 v10, v19  }
0x10c: {  	v19 =	vld [tilespmem:s22+$0x0];
	v17 =	vclamp.gez.f32 v18, v20;
	v16 =	vsub.f32 v16, v8  }
0x10d: {  	v20 =	vld [tilespmem:s22+$0x2000];
	[tilespmem:s23+$0x4000] =	vst v17;
	v11 =	vmax.f32 v11, v17;
	v18 =	vsub.f32 v8, v13  }
.Ltmp27:
0x10e: {  	v17 =	vld [tilespmem:s22+$0x10];
	v13 =	vclamp.gez.f32 v22, v16;
	v15 =	vsub.f32 v15, v8;
	(pc) =	sbr.rel @p0 .LBB2_33-.Ltmp27, $4  }
0x10f: {  	v16 =	vld [tilespmem:s22+$0x2010];
	[tilespmem:s23+$0x4010] =	vst v13;
	v12 =	vmax.f32 v12, v13  }
0x110: {  	v22 =	vsub.f32 v8, v14;
	v13 =	vld [tilespmem:s22+$0x20];
	v21 =	vsub.f32 v21, v8;
	v14 =	vclamp.gez.f32 v18, v15  }
0x111: {  	v18 =	vsub.f32 v8, v19;
	v15 =	vld [tilespmem:s22+$0x2020];
	[tilespmem:s23+$0x4020] =	vst v14;
	v9 =	vmax.f32 v9, v14;
	s23 =	smov.u32 s22;
	s22 =	sshra.s32 s24, $0x2  }
0x112: {  	s24 =	sadd.s32 $0x100, s24;
	v14 =	vld [tilespmem:s22+$0x30];
	v20 =	vsub.f32 v20, v8;
	v19 =	vclamp.gez.f32 v22, v21  }
0x113: {  	v21 =	vld [tilespmem:s22+$0x2030];
	[tilespmem:s23+$0x4030] =	vst v19  }
0x114: {  	v17 =	vsub.f32 v8, v17;
	v22 =	vld [tilespmem:s22+$0x0];
	v18 =	vclamp.gez.f32 v18, v20;
	v16 =	vsub.f32 v16, v8  }
0x115: {  	v58 =	vld [tilespmem:s22+$0x2000];
	[tilespmem:s23+$0x4000] =	vst v18  }
0x116: {  	v23 =	vld [tilespmem:s22+$0x10];
	v16 =	vclamp.gez.f32 v17, v16  }
0x117: {  	v59 =	vld [tilespmem:s22+$0x2010];
	[tilespmem:s23+$0x4010] =	vst v16  }
0x118: {  	v24 =	vld [tilespmem:s22+$0x20]  }
0x119: {  	v13 =	vsub.f32 v8, v13;
	v15 =	vsub.f32 v15, v8;
	v25 =	vld [tilespmem:s22+$0x2020]  }
0x11a: {  	v10 =	vmax.f32 v10, v19;
	v11 =	vmax.f32 v11, v18;
	v12 =	vmax.f32 v12, v16  }
0x11b: {  	v14 =	vsub.f32 v8, v14;
	v13 =	vclamp.gez.f32 v13, v15;
	v15 =	vsub.f32 v21, v8  }
0x11c: {  	v60 =	vsub.f32 v8, v22;
	v61 =	vmax.f32 v9, v13;
	v9 =	vsub.f32 v58, v8  }
0x11d: {  	[tilespmem:s23+$0x4020] =	vst v13;
	v13 =	vclamp.gez.f32 v14, v15;
	v14 =	vsub.f32 v8, v23;
	v15 =	vsub.f32 v59, v8  }
0x11e: {  	[tilespmem:s22+$0x4030] =	vst v13;
	v9 =	vclamp.gez.f32 v60, v9;
	v62 =	vsub.f32 v8, v24;
	v63 =	vsub.f32 v25, v8  }
0x11f: {  	[tilespmem:s22+$0x4000] =	vst v9;
	v8 =	vmax.f32 v10, v13;
	v10 =	vmax.f32 v11, v9;
	v11 =	vclamp.gez.f32 v14, v15  }
0x120: {  	v13 =	vimm.s32 $0x0;
	v9 =	vimm.s32 $0x3F000000;
	[tilespmem:s22+$0x4010] =	vst v11;
	v14 =	vclamp.gez.f32 v62, v63  }
0x121: {  	v12 =	vmax.f32 v12, v11;
	[tilespmem:s22+$0x4020] =	vst v14;
	v11 =	vmax.f32 v61, v14;
	v14 =	vadd.s32 v13, v9;
	s22 =	simm.s32 $0x1E  }
.LBB2_35:
0x122: {  	p0 =	sne.s32 s22, $0x1;
	v15 =	vand.u32 $0x1, v14  }
0x123: {  	v16 =	vshrl.u32 v14, $0x1F;
	vm0 =	vlt.s32 v14, $0x1;
	vm1 =	veq.s32 v15, $0x1  }
0x124: {  	v14 =	vadd.s32 v16, v14;
	vm0 =	vmand vm0, vm1  }
0x125: {  	v14 =	vshra.s32 v14, $0x1;
	v15 =	vsel vm0, $0xFFFFFFFF, v1  }
0x126: {  	v14 =	vadd.s32 v15, v14  }
0x127: {  	vm0 =	vgt.f32 v10, v14;
	vm1 =	vgt.f32 v12, v14  }
0x128: {  	v15 =	vmpcnt.ones.xlane vm0;
	v16 =	vmpcnt.ones.xlane vm1;
	vm0 =	vgt.f32 v11, v14  }
0x129: {  	v17 =	vmpcnt.ones.xlane vm0;
	vm0 =	vgt.f32 v8, v14  }
0x12a: {  	v15 =	vadd.s32 v15, v16;
	v16 =	vmpcnt.ones.xlane vm0  }
.Ltmp28:
0x12b: {  	v15 =	vadd.s32 v17, v15;
	(pc) =	sbr.rel @p0 .LBB2_35-.Ltmp28, $4  }
0x12c: {  	v15 =	vadd.s32 v16, v15  }
0x12d: {  	vm0 =	vgt.s32 v15, $0x1F  }
0x12e: {  	v13 =	vsel vm0, v14, v13;
	v9 =	vsel vm0, v9, v14  }
0x12f: {  	s22 =	sadd.s32 $0xFFFFFFFF, s22;
	v14 =	vadd.s32 v13, v9  }
0x130: {  	v13 =	vand.u32 $0x1, v14  }
0x131: {  	v15 =	vshrl.u32 v14, $0x1F;
	vm0 =	vlt.s32 v14, $0x1;
	vm1 =	veq.s32 v13, $0x1  }
0x132: {  	v62 =	vadd.s32 v15, v14;
	vm0 =	vmand vm0, vm1  }
0x133: {  	v13 =	vshra.s32 v62, $0x1;
	v63 =	vsel vm0, $0xFFFFFFFF, v1  }
0x134: {  	v13 =	vadd.s32 v63, v13  }
0x135: {  	vm11 =	vgt.f32 v10, v13;
	vm12 =	vgt.f32 v12, v13  }
0x136: {  	vm13 =	vgt.f32 v11, v13;
	v10 =	vmpcnt.ones.xlane vm11;
	v12 =	vmpcnt.ones.xlane vm12  }
0x137: {  	vm14 =	vgt.f32 v8, v13;
	v11 =	vmpcnt.ones.xlane vm13  }
0x138: {  	v8 =	vadd.s32 v10, v12;
	v10 =	vmpcnt.ones.xlane vm14  }
0x139: {  	v8 =	vadd.s32 v11, v8  }
0x13a: {  	v8 =	vadd.s32 v10, v8  }
0x13b: {  	vm15 =	vgt.s32 v8, $0x1F  }
0x13c: {  	s23 =	simm.s32 $0x0;
	s22 =	simm.s32 $0x40;
	v8 =	vlaneseq.u32;
	v10 =	vsel vm15, v9, v13;
	v9 =	vlaneseq.u32  }
.LBB2_37:
0x13d: {  	p0 =	sne.s32 s22, $0x7FC0;
	v11 =	vld [tilespmem:s23+$0x4000];
	_ =	sdelay $0x4  }
0x13e: {  	vm0 =	vgt.f32 v11, v10  }
0x13f: {  	v12 =	vsel vm0, $0x10, v1  }
.Ltmp29:
0x140: {  	v9 =	vadd.s32 v9, v12;
	(pc) =	sbr.rel @p0 .LBB2_37-.Ltmp29, $2  }
0x141: {  	_ =	sdelay $0x2  }
0x142: {  	s23 =	sshra.s32 s22, $0x2;
	s22 =	sadd.s32 $0x40, s22;
	[tilespmem:v8+s14+$0x0] =	vst.idx.msk vm0, v11;
	v8 =	vmov v9  }
0x143: {  	v11 =	vld [tilespmem:s23+$0x4000];
	_ =	sdelay $0x4  }
0x144: {  	vm0 =	vgt.f32 v11, v10  }
0x145: {  	v12 =	vsel vm0, $0x10, v1  }
0x146: {  	v9 =	vadd.s32 v9, v12  }
0x147: {  	v9 =	vadd.s32 v2, v9  }
0x148: {  	v62 =	vshra.s32 v9, $0x1F;
	v13 =	vand.u32 $0xF, v9  }
0x149: {  	vm2 =	vlt.s32 v9, $0x1;
	vm1 =	vne.s32 v13, $0x0;
	v12 =	vshrl.u32 v62, $0x1C  }
0x14a: {  	vm1 =	vmand vm2, vm1;
	v9 =	vadd.s32 v12, v9  }
0x14b: {  	v9 =	vshra.s32 v9, $0x4;
	v63 =	vsel vm1, $0xFFFFFFFF, v1  }
0x14c: {  	v9 =	vadd.s32 v63, v9  }
0x14d: {  	v12 =	vcvt.s32.f32 v9  }
0x14e: {  	[tilespmem:v8+s14+$0x0] =	vst.idx.msk vm0, v11  }
0x14f: {  	[tilespmem:$0x8000] =	vst v12  }
0x150: {  	v8 =	vld.idx.msk [tilespmem:v3+s15+$0x0], $0xffff;
	_ =	sdelay $0x4  }
0x151: {  	v8 =	vmax.f32 v12, v8  }
0x152: {  	[tilespmem:$0x8000] =	vst v8  }
0x153: {  	v11 =	vld.idx.msk [tilespmem:v4+s15+$0x0], $0xffff;
	_ =	sdelay $0x4  }
0x154: {  	v8 =	vmax.f32 v8, v11  }
0x155: {  	[tilespmem:$0x8000] =	vst v8  }
0x156: {  	v11 =	vld.idx.msk [tilespmem:v5+s15+$0x0], $0xffff;
	_ =	sdelay $0x4  }
0x157: {  	v8 =	vmax.f32 v8, v11  }
0x158: {  	[tilespmem:$0x8000] =	vst v8  }
0x159: {  	v11 =	vld.idx.msk [tilespmem:v6+s15+$0x0], $0xffff;
	_ =	sdelay $0x4  }
0x15a: {  	v8 =	vmax.f32 v8, v11  }
0x15b: {  	(v2sf) =	vpush v8, $0x0;
	_ =	sdelay $0xe  }
0x15c: {  	s22 =	spop (v2sf)  }
0x15d: {  	s22 =	scvt.f32.s32 s22;
	_ =	sdelay $0x1  }
0x15e: {  	s23 =	simm.s32 $0x0;
	v8 =	vimm.s32 $0x3F000000;
	p0 =	slt.s32 s22, $0x1  }
.LBB2_39:
0x15f: {  	s23 =	sadd.s32 $0x1, s23  }
.LBB2_40:
0x160: {  	v11 =	vadd.s32 v10, v8  }
.Ltmp30:
0x161: {  	v12 =	vand.u32 $0x1, v11;
	(pc) =	sbr.rel @!p0 .LBB2_41-.Ltmp30, $4  }
0x162: {  	v13 =	vshrl.u32 v11, $0x1F;
	vm0 =	vlt.s32 v11, $0x1;
	vm1 =	veq.s32 v12, $0x1  }
0x163: {  	v11 =	vadd.s32 v13, v11;
	vm0 =	vmand vm0, vm1  }
0x164: {  	v11 =	vshra.s32 v11, $0x1;
	v63 =	vsel vm0, $0xFFFFFFFF, v1  }
0x165: {  	v11 =	vadd.s32 v63, v11  }
0x166: {  	s23 =	sadd.s32 $0x1, s23  }
0x167: {  	p1 =	sne.s32 s23, $0x20  }
.Ltmp31:
0x168: {  	_ = 	snop;
	(pc) =	sbr.rel @p1 .LBB2_40-.Ltmp31, $4  }
.Ltmp32:
0x169: {  	_ = 	snop;
	(pc) =	sbr.rel @!p1 .LBB2_51-.Ltmp32, $4  }
0x16a: {  	_ = 	snop  }
0x16b: {  	_ = 	snop  }
0x16c: {  	v8 =	vmov v11  }
0x16d: {  	_ = 	snop  }
.LBB2_41:
0x16e: {  	p2 =	sne.s32 s22, $0x1  }
.Ltmp33:
0x16f: {  	_ = 	snop;
	(pc) =	sbr.rel @!p2 .LBB2_42-.Ltmp33, $3  }
0x170: {  	_ =	sdelay $0x1  }
0x171: {  	s26 =	simm.s32 $0x6000  }
0x172: {  	s25 =	simm.s32 $0x0;
	v12 =	vimm.s32 $0x0;
	s24 =	simm.s32 $0x1;
	p1 =	por $0x0, $0x0;
	v13 =	vld [tilespmem:s26+$0x0]  }
0x173: {  	_ = 	snop  }
0x174: {  	p2 =	sne.s32 s22, $0x2  }
.Ltmp34:
0x175: {  	_ = 	snop;
	(pc) =	sbr.rel @!p2 .LBB2_44-.Ltmp34, $4  }
0x176: {  	v14 =	vmov s25  }
0x177: {  	vm1 =	vlt.s32 v14, v9;
	vm0 =	vgt.f32 v13, v11  }
0x178: {  	s25 =	simm.s32 $0x6010;
	vm0 =	vmand vm1, vm0  }
0x179: {  	s26 =	simm.s32 $0x2;
	p1 =	por $0x1, $0x1;
	v14 =	vimm.s32 $0x0;
	v13 =	vld [tilespmem:s25+$0x0];
	v15 =	vmpcnt.ones.xlane vm0  }
.LBB2_45:
0x17a: {  	s28 =	smov.u32 s26;
	s26 =	sadd.s32 $0x1, s26  }
0x17b: {  	p2 =	sne.s32 s22, s26  }
.Ltmp35:
0x17c: {  	v14 =	vadd.s32 v14, v15;
	(pc) =	sbr.rel @p2 .LBB2_45-.Ltmp35, $4  }
0x17d: {  	v15 =	vmov s24;
	s24 =	smov.u32 s28  }
0x17e: {  	s25 =	sadd.s32 $0x10, s25;
	vm1 =	vlt.s32 v15, v9;
	vm0 =	vgt.f32 v13, v11  }
0x17f: {  	v13 =	vld [tilespmem:s25+$0x0];
	vm0 =	vmand vm1, vm0  }
0x180: {  	v15 =	vmpcnt.ones.xlane vm0  }
0x181: {  	s25 =	smov.u32 s24  }
.LBB2_47:
0x182: {  	_ = 	snop  }
0x183: {  	v16 =	vmov s25  }
0x184: {  	vm1 =	vlt.s32 v16, v9;
	vm0 =	vgt.f32 v13, v11;
	v13 =	vadd.s32 @p1 v14, v15  }
0x185: {  	vm0 =	vmand vm1, vm0;
	v12 =	vpsel p1, v13, v12;
	p1 =	seq.s32 s23, $0x1F  }
.Ltmp36:
0x186: {  	v63 =	vmpcnt.ones.xlane vm0;
	(pc) =	sbr.rel @!p1 .LBB2_39-.Ltmp36, $4  }
.Ltmp37:
0x187: {  	_ = 	snop;
	(pc) =	sbr.rel @p1 .LBB2_48-.Ltmp37, $4  }
0x188: {  	v12 =	vadd.s32 v12, v63  }
0x189: {  	vm15 =	vgt.s32 v12, $0x1F  }
0x18a: {  	v10 =	vsel vm15, v11, v10;
	v8 =	vsel vm15, v8, v11  }
0x18b: {  	_ = 	snop  }
.LBB2_42:
.Ltmp38:
0x18c: {  	(pc) =	sbr.rel .LBB2_47-.Ltmp38, $2  }
0x18d: {  	_ =	sdelay $0x2  }
0x18e: {  	v14 =	vimm.s32 $0x0  }
.LBB2_44:
.Ltmp39:
0x18f: {  	(pc) =	sbr.rel .LBB2_47-.Ltmp39, $2  }
0x190: {  	_ =	sdelay $0x2  }
0x191: {  	v14 =	vimm.s32 $0x0;
	s25 =	simm.s32 $0x1  }
.LBB2_51:
0x192: {  	v9 =	vimm.f32 $3.200000000e+01;
	v10 =	vimm.f32 $0.0e+00;
	v8 =	vmov v11  }
.LBB2_57:
0x193: {  	_ =	sdelay $0x2  }
0x194: {  	[tilespmem:$0x8000] =	vst v10  }
0x195: {  	v11 =	vld.idx.msk [tilespmem:v3+s15+$0x0], $0xffff;
	_ =	sdelay $0x4  }
0x196: {  	v59 =	vadd.f32 v11, v10;
	_ =	sdelay $0x1  }
0x197: {  	[tilespmem:$0x8000] =	vst v59  }
0x198: {  	v60 =	vld.idx.msk [tilespmem:v4+s15+$0x0], $0xffff;
	_ =	sdelay $0x4  }
0x199: {  	v10 =	vadd.f32 v60, v59;
	_ =	sdelay $0x1  }
0x19a: {  	[tilespmem:$0x8000] =	vst v10  }
0x19b: {  	v61 =	vld.idx.msk [tilespmem:v5+s15+$0x0], $0xffff;
	_ =	sdelay $0x4  }
0x19c: {  	v10 =	vadd.f32 v61, v10;
	_ =	sdelay $0x1  }
0x19d: {  	[tilespmem:$0x8000] =	vst v10  }
0x19e: {  	v62 =	vld.idx.msk [tilespmem:v6+s15+$0x0], $0xffff;
	_ =	sdelay $0x2  }
0x19f: {  	v63 =	vmov s21;
	s21 =	sadd.s32 $0x1, s21  }
0x1a0: {  	p0 =	sne.s32 s21, $0x10  }
.Ltmp40:
0x1a1: {  	v8 =	vmul.f32 v8, v9;
	v10 =	vadd.f32 v62, v10;
	(pc) =	sbr.rel @p0 .LBB2_32-.Ltmp40, $4  }
.Ltmp41:
0x1a2: {  	_ = 	snop;
	(pc) =	sbr.rel @!p0 .LBB2_58-.Ltmp41, $4  }
0x1a3: {  	v8 =	vadd.f32 v10, v8  }
0x1a4: {  	vm0 =	veq.s32 v63, v0  }
0x1a5: {  	v7 =	vsel vm0, v8, v7  }
0x1a6: {  	_ = 	snop  }
.LBB2_48:
0x1a7: {  	p1 =	sne.s32 s22, $0x1  }
.Ltmp42:
0x1a8: {  	_ = 	snop;
	(pc) =	sbr.rel @!p1 .LBB2_49-.Ltmp42, $3  }
0x1a9: {  	_ =	sdelay $0x1  }
0x1aa: {  	s25 =	simm.s32 $0x6000  }
0x1ab: {  	s24 =	simm.s32 $0x0;
	v10 =	vimm.f32 $0.0e+00;
	v11 =	vimm.s32 $0x0;
	s23 =	simm.s32 $0x1;
	p0 =	por $0x0, $0x0;
	v13 =	vld [tilespmem:s25+$0x0]  }
0x1ac: {  	_ =	sdelay $0x1  }
0x1ad: {  	p1 =	sne.s32 s22, $0x2  }
.Ltmp43:
0x1ae: {  	v12 =	vmov s24;
	(pc) =	sbr.rel @!p1 .LBB2_53-.Ltmp43, $4  }
0x1af: {  	vm1 =	vlt.s32 v12, v9;
	vm0 =	vgt.f32 v13, v8  }
0x1b0: {  	s24 =	simm.s32 $0x6010;
	vm0 =	vmand vm1, vm0  }
0x1b1: {  	v12 =	vnsel vm0, $0x0, v13;
	v13 =	vld [tilespmem:s24+$0x0]  }
0x1b2: {  	s25 =	simm.s32 $0x2;
	p0 =	por $0x1, $0x1;
	v14 =	vmpcnt.ones.xlane vm0;
	v10 =	vadd.f32 v12, v10;
	v12 =	vimm.s32 $0x0  }
.LBB2_54:
0x1b3: {  	s26 =	smov.u32 s25;
	s25 =	sadd.s32 $0x1, s25  }
0x1b4: {  	v12 =	vadd.s32 v12, v14;
	p1 =	sne.s32 s22, s25  }
.Ltmp44:
0x1b5: {  	v15 =	vmov s23;
	s23 =	smov.u32 s26;
	(pc) =	sbr.rel @p1 .LBB2_54-.Ltmp44, $4  }
0x1b6: {  	s24 =	sadd.s32 $0x10, s24;
	vm1 =	vlt.s32 v15, v9;
	vm0 =	vgt.f32 v13, v8;
	v14 =	vmov v13  }
0x1b7: {  	v13 =	vld [tilespmem:s24+$0x0];
	vm0 =	vmand vm1, vm0  }
0x1b8: {  	v15 =	vnsel vm0, $0x0, v14;
	v14 =	vmpcnt.ones.xlane vm0  }
0x1b9: {  	v10 =	vadd.f32 v15, v10  }
0x1ba: {  	s24 =	smov.u32 s23  }
.LBB2_56:
0x1bb: {  	v15 =	vmov s24  }
0x1bc: {  	vm0 =	vgt.f32 v13, v8;
	vm1 =	vlt.s32 v15, v9  }
0x1bd: {  	vm0 =	vmand vm1, vm0  }
.Ltmp45:
0x1be: {  	v9 =	vadd.s32 @p0 v12, v14;
	v63 =	vmpcnt.ones.xlane vm0;
	(pc) =	sbr.rel .LBB2_57-.Ltmp45, $4  }
0x1bf: {  	v9 =	vpsel p0, v9, v11  }
0x1c0: {  	v9 =	vadd.s32 v9, v63  }
0x1c1: {  	v11 =	vnsel vm0, $0x0, v13;
	v9 =	vsub.s32 $0x20, v9  }
0x1c2: {  	v10 =	vadd.f32 v11, v10;
	v9 =	vcvt.s32.f32 v9  }
.LBB2_49:
.Ltmp46:
0x1c3: {  	(pc) =	sbr.rel .LBB2_56-.Ltmp46, $2  }
0x1c4: {  	_ =	sdelay $0x2  }
0x1c5: {  	v12 =	vimm.s32 $0x0  }
.LBB2_53:
.Ltmp47:
0x1c6: {  	(pc) =	sbr.rel .LBB2_56-.Ltmp47, $2  }
0x1c7: {  	_ =	sdelay $0x2  }
0x1c8: {  	v12 =	vimm.s32 $0x0;
	s24 =	simm.s32 $0x1  }
.LBB2_60:
0x1c9: {  	_ =	sfence.sel $0x180000  }
0x1ca: {  	[bflag:$0x0] =	sbarrier.arrive $0xFFFF  }
0x1cb: {  	p0 =	sne.s32 s1, $0x0;
	_ =	strace $0x90000047  }
0x1cc: {  	s0 =	sadd.s32 @!p0 $0x100000, s0;
	[bflag:$0x2] =	sbarrier.arrive $0xFFFF  }
0x1cd: {  	[sflag:s0] =	ssyncadd.tile.s32 @!p0 $0x1;
	_ =	shalt  }
.Lfunc_end2:
_tile_overlayer_lowered:
.L_overlay_start_2:
0x1ce: {  	(tag) =	ssettag $0x2  }
0x1cf: {  	s0 =	rddreg [dreg:$0x0];
	s2 =	stileid.u32  }
0x1d0: {  	s1 =	rddreg [dreg:$0x1];
	p0 =	sne.s32 s2, $0x0  }
0x1d1: {  	s3 =	rddreg [dreg:$0x2];
	[bflag:$0x3] =	sbarrier.arrive $0xFFFF;
	s2 =	simm.s32 @!p0 $0x1C01  }
0x1d2: {  	[timem:s3], [sflag:s2] =	dma.local @!p0 [hbm:s0], s1  }
0x1d3: {  	s0 =	simm.s32 @!p0 $0x1  }
0x1d4: {  	_ =	swait.ge @!p0 [sflag:s0], s1  }
0x1d5: {  	s1 =	ssub.s32 @!p0 $0x0, s1;
	[sflag:s0] =	ssyncset.done @!p0 $0x0  }
0x1d6: {  	[sflag:s0] =	ssyncadd.s32 @!p0 s1  }
0x1d7: {  	[bflag:$0x3] =	sbarrier.arrive $0xFFFF  }
0x1d8: {  	_ =	shalt  }

</sc_bundles>
